<compile_context>
chip_gen: v7x
topology: tpu7x:2x2x1
jax: 0.10.2.dev20260603
libtpu: 0.0.44.dev20260713+nightly
codegen_flags: <defaults>
</compile_context>

<pallas_src>
import functools

import jax
import jax.numpy as jnp
from jax import lax
from jax.experimental import pallas as pl
from jax.experimental.pallas import tpu as pltpu
from jax.experimental.pallas import tpu_sc as plsc

VOCAB = 1000000
EMBED_DIM = 64
LANES = 128
VREG = 16
BATCH = 4096
SEQ_LEN = 200

N = BATCH * SEQ_LEN
CHUNK = 200
UNROLL = 8


def _make_sc_gather():
    info = plsc.get_sparse_core_info()
    nc, ns = info.num_cores, info.num_subcores
    nw = nc * ns
    per_w = N // nw
    chunks_per_w = per_w // CHUNK
    npairs = chunks_per_w // 2

    mesh = plsc.VectorSubcoreMesh(core_axis_name="c", subcore_axis_name="s")

    @functools.partial(
        pl.kernel,
        mesh=mesh,
        out_type=jax.ShapeDtypeStruct((N, EMBED_DIM), jnp.float32),
        scratch_types=[
            pltpu.VMEM((per_w,), jnp.int32),
            pltpu.VMEM((2, CHUNK, LANES), jnp.float32),
            pltpu.VMEM((2, CHUNK, EMBED_DIM), jnp.float32),
            pltpu.SemaphoreType.DMA,
            pltpu.SemaphoreType.DMA,
            pltpu.SemaphoreType.DMA,
            pltpu.SemaphoreType.DMA,
        ],
    )
    def k(idx_hbm, table_hbm, out_hbm, idx_v, g_v, w_v, g0, g1, w0, w1):
        wid = lax.axis_index("s") * nc + lax.axis_index("c")
        base = wid * per_w
        gsem = (g0, g1)
        wsem = (w0, w1)
        pltpu.sync_copy(idx_hbm.at[pl.ds(base, per_w)], idx_v)

        def issue_gather(c, b):
            pltpu.async_copy(
                table_hbm.at[idx_v.at[pl.ds(c * CHUNK, CHUNK)]],
                g_v.at[b],
                gsem[b],
            )

        def wait_gather(b):
            pltpu.make_async_copy(
                table_hbm.at[pl.ds(0, CHUNK)], g_v.at[b], gsem[b]
            ).wait()

        def issue_wb(c, b):
            pltpu.async_copy(
                w_v.at[b],
                out_hbm.at[pl.ds(base + c * CHUNK, CHUNK)],
                wsem[b],
            )

        def wait_wb(b):
            pltpu.make_async_copy(
                w_v.at[b],
                out_hbm.at[pl.ds(base, CHUNK)],
                wsem[b],
            ).wait()

        def compact(b):
            gb = g_v.at[b]
            wb = w_v.at[b]

            def rows(i, carry):
                for u in range(UNROLL):
                    r = i * UNROLL + u
                    for l in range(EMBED_DIM // VREG):
                        wb[r, pl.ds(l * VREG, VREG)] = gb[r, pl.ds(l * VREG, VREG)]
                return carry

            lax.fori_loop(0, CHUNK // UNROLL, rows, 0)

        issue_gather(0, 0)
        issue_gather(1, 1)

        def body(p, carry):
            for b in (0, 1):
                c = 2 * p + b
                wait_gather(b)

                @pl.when(p > 0)
                def _():
                    wait_wb(b)

                compact(b)

                @pl.when(p < npairs - 1)
                def _():
                    issue_gather(c + 2, b)

                issue_wb(c, b)
            return carry

        lax.fori_loop(0, npairs, body, 0)
        wait_wb(0)
        wait_wb(1)

    return k


def kernel(batch, table):
    k = _make_sc_gather()
    table128 = jnp.pad(table.T, ((0, LANES - EMBED_DIM), (0, 0))).T
    idx = batch.reshape(N)
    out = k(idx, table128)
    return out.reshape(BATCH, SEQ_LEN, EMBED_DIM)

# --- scband reference (transcript-rebuilt; emitter-appended) ---
"""Pipeline reference for scband-embedding-33371895890677 (READ-ONLY COPY).

The authoritative reference and input builder live on the scoring server;
editing this copy changes nothing except your own understanding.
"""

import jax, jax.numpy as jnp
import numpy as np

VOCAB = 1000000
EMBED_DIM = 64
BATCH = 4096
SEQ_LEN = 200
PAD_INDEX = 0

def setup_inputs(seed: int = 0) -> dict:
    key = jax.random.key(seed)
    k1, k2 = jax.random.split(key)
    batch = jax.random.randint(k1, (BATCH, SEQ_LEN), 0, VOCAB, dtype=jnp.int64 if jax.config.jax_enable_x64 else jnp.int32)
    batch = batch.astype(jnp.int32)
    table = jax.random.normal(k2, (VOCAB, EMBED_DIM), dtype=jnp.float32) * 0.02
    # padding_idx row is zero (nn.Embedding with padding_idx=0)
    table = table.at[PAD_INDEX].set(0.0)
    return {"batch": batch, "table": table}

def reference(batch, table):
    # Embedding.forward: batch is already [B, L] of index ints; indexing() is a
    # no-op for pre-padded fixed-length integer sequences (len == sequence_max_length),
    # so forward reduces to an embedding lookup: embedding_layer(batch).
    return jnp.take(table, batch, axis=0)

if __name__ == "__main__":
    import jax
    _d = setup_inputs()
    print(jax.jit(kernel)(*tuple(_d.values())))

</pallas_src>

<mosaic_0001>
#map = affine_map<(d0, d1) -> (0)>
#map1 = affine_map<(d0, d1) -> (0, 0)>
module attributes {stable_mosaic.version = 14 : i64} {
  func.func @k(%arg0: i32, %arg1: i32, %arg2: memref<819200xi32, #tpu.memory_space<hbm>>, %arg3: memref<1000000x128xf32, #tpu.memory_space<hbm>>, %arg4: memref<819200x64xf32, #tpu.memory_space<hbm>>, %arg5: memref<25600xi32, #tpu.memory_space<vmem>>, %arg6: memref<2x200x128xf32, #tpu.memory_space<vmem>>, %arg7: memref<2x200x64xf32, #tpu.memory_space<vmem>>, %arg8: memref<!tpu.dma_semaphore, #tpu.memory_space<semaphore_mem>>, %arg9: memref<!tpu.dma_semaphore, #tpu.memory_space<semaphore_mem>>, %arg10: memref<!tpu.dma_semaphore, #tpu.memory_space<semaphore_mem>>, %arg11: memref<!tpu.dma_semaphore, #tpu.memory_space<semaphore_mem>>) attributes {dimension_semantics = [#tpu.dimension_semantics<core_parallel>, #tpu.dimension_semantics<subcore_parallel>], iteration_bounds = array<i64: 2, 16>, scalar_prefetch = 0 : i64, scratch_operands = 7 : i64, tpu.core_type = #tpu.core_type<sc_vector_subcore>, window_params = [{transform_indices = #map}, {transform_indices = #map1}, {transform_indices = #map1}]} {
    %mul3A = arith.constant 2 : i32
    %mul3A_0 = arith.muli %arg1, %mul3A : i32
    %add3A = arith.addi %mul3A_0, %arg0 : i32
    %mul3A_1 = arith.constant 25600 : i32
    %mul3A_2 = arith.muli %add3A, %mul3A_1 : i32
    "tpu.region"() ({
      %run_scoped3A = tpu.sem_alloc : memref<!tpu.dma_semaphore, #tpu.memory_space<semaphore_mem>>
      %dma_start3A_52 = tpu.memref_slice %arg2[%mul3A_2] : memref<819200xi32, #tpu.memory_space<hbm>> -> memref<25600xi32, #tpu.memory_space<hbm>>
      %dma_start3A_53 = tpu.memref_slice %arg2[%mul3A_2] : memref<819200xi32, #tpu.memory_space<hbm>> -> memref<25600xi32, #tpu.memory_space<hbm>>
      tpu.enqueue_dma source(%dma_start3A_53 : memref<25600xi32, #tpu.memory_space<hbm>>) target(%arg5 : memref<25600xi32, #tpu.memory_space<vmem>>) target_semaphore(%run_scoped3A : memref<!tpu.dma_semaphore, #tpu.memory_space<semaphore_mem>>)
      %dma_wait3A_54 = tpu.memref_slice %arg2[%mul3A_2] : memref<819200xi32, #tpu.memory_space<hbm>> -> memref<25600xi32, #tpu.memory_space<hbm>>
      %dma_wait3A_55 = tpu.memref_slice %arg2[%mul3A_2] : memref<819200xi32, #tpu.memory_space<hbm>> -> memref<25600xi32, #tpu.memory_space<hbm>>
      tpu.wait_dma2 semaphore(%run_scoped3A : memref<!tpu.dma_semaphore, #tpu.memory_space<semaphore_mem>>) src(%dma_wait3A_55 : memref<25600xi32, #tpu.memory_space<hbm>>) dst(%arg5 : memref<25600xi32, #tpu.memory_space<vmem>>)
      tpu.yield
    }) : () -> ()
    %dma_start3A = arith.constant 0 : i32
    %dma_start3A_3 = arith.constant 0 : i32
    %dma_start3A_4 = arith.constant 0 : i32
    %dma_start3A_5 = tpu.memref_slice %arg6[%dma_start3A, %dma_start3A_3, %dma_start3A_4] : memref<2x200x128xf32, #tpu.memory_space<vmem>> -> memref<1x200x128xf32, #tpu.memory_space<vmem>>
    %dma_start3A_6 = tpu.memref_squeeze %dma_start3A_5 : memref<1x200x128xf32, #tpu.memory_space<vmem>> -> memref<200x128xf32, #tpu.memory_space<vmem>>
    %dma_start3A_7 = arith.constant 0 : i32
    %dma_start3A_8 = tpu.memref_slice %arg5[%dma_start3A_7] : memref<25600xi32, #tpu.memory_space<vmem>> -> memref<200xi32, #tpu.memory_space<vmem>>
    %dma_start3A_9 = arith.constant 0 : i32
    %dma_start3A_10 = arith.constant 0 : i32
    %dma_start3A_11 = tpu.memref_slice %arg3[%dma_start3A_9, %dma_start3A_10] : memref<1000000x128xf32, #tpu.memory_space<hbm>> -> memref<1000000x128xf32, #tpu.memory_space<hbm>>
    tpu.enqueue_indirect_dma source(%dma_start3A_11 : memref<1000000x128xf32, #tpu.memory_space<hbm>>) target(%dma_start3A_6 : memref<200x128xf32, #tpu.memory_space<vmem>>) offsets(%dma_start3A_8 : memref<200xi32, #tpu.memory_space<vmem>>) semaphore(%arg8 : memref<!tpu.dma_semaphore, #tpu.memory_space<semaphore_mem>>)
    %dma_start3A_12 = arith.constant 1 : i32
    %dma_start3A_13 = arith.constant 0 : i32
    %dma_start3A_14 = arith.constant 0 : i32
    %dma_start3A_15 = tpu.memref_slice %arg6[%dma_start3A_12, %dma_start3A_13, %dma_start3A_14] : memref<2x200x128xf32, #tpu.memory_space<vmem>> -> memref<1x200x128xf32, #tpu.memory_space<vmem>>
    %dma_start3A_16 = tpu.memref_squeeze %dma_start3A_15 : memref<1x200x128xf32, #tpu.memory_space<vmem>> -> memref<200x128xf32, #tpu.memory_space<vmem>>
    %dma_start3A_17 = arith.constant 200 : i32
    %dma_start3A_18 = tpu.memref_slice %arg5[%dma_start3A_17] : memref<25600xi32, #tpu.memory_space<vmem>> -> memref<200xi32, #tpu.memory_space<vmem>>
    %dma_start3A_19 = arith.constant 0 : i32
    %dma_start3A_20 = arith.constant 0 : i32
    %dma_start3A_21 = tpu.memref_slice %arg3[%dma_start3A_19, %dma_start3A_20] : memref<1000000x128xf32, #tpu.memory_space<hbm>> -> memref<1000000x128xf32, #tpu.memory_space<hbm>>
    tpu.enqueue_indirect_dma source(%dma_start3A_21 : memref<1000000x128xf32, #tpu.memory_space<hbm>>) target(%dma_start3A_16 : memref<200x128xf32, #tpu.memory_space<vmem>>) offsets(%dma_start3A_18 : memref<200xi32, #tpu.memory_space<vmem>>) semaphore(%arg9 : memref<!tpu.dma_semaphore, #tpu.memory_space<semaphore_mem>>)
    %scan3A = arith.constant 0 : i32
    %scan3A_22 = arith.constant 0 : i32
    %scan3A_23 = arith.constant 64 : i32
    %scan3A_24 = arith.addi %scan3A_22, %scan3A_23 : i32
    %scan3A_25 = arith.constant 1 : i32
    scf.for %scan3A_52 = %scan3A_22 to %scan3A_24 step %scan3A_25  : i32 {
      %mul3A_53 = arith.constant 2 : i32
      %mul3A_54 = arith.muli %mul3A_53, %scan3A_52 : i32
      %add3A_55 = arith.constant 0 : i32
      %add3A_56 = arith.addi %mul3A_54, %add3A_55 : i32
      %dma_wait3A_57 = arith.constant 0 : i32
      %dma_wait3A_58 = arith.constant 0 : i32
      %dma_wait3A_59 = arith.constant 0 : i32
      %dma_wait3A_60 = tpu.memref_slice %arg6[%dma_wait3A_57, %dma_wait3A_58, %dma_wait3A_59] : memref<2x200x128xf32, #tpu.memory_space<vmem>> -> memref<1x200x128xf32, #tpu.memory_space<vmem>>
      %dma_wait3A_61 = tpu.memref_squeeze %dma_wait3A_60 : memref<1x200x128xf32, #tpu.memory_space<vmem>> -> memref<200x128xf32, #tpu.memory_space<vmem>>
      %dma_wait3A_62 = arith.constant 0 : i32
      %dma_wait3A_63 = arith.constant 0 : i32
      %dma_wait3A_64 = tpu.memref_slice %arg3[%dma_wait3A_62, %dma_wait3A_63] : memref<1000000x128xf32, #tpu.memory_space<hbm>> -> memref<200x128xf32, #tpu.memory_space<hbm>>
      %dma_wait3A_65 = arith.constant 0 : i32
      %dma_wait3A_66 = arith.constant 0 : i32
      %dma_wait3A_67 = tpu.memref_slice %arg6[%dma_wait3A_57, %dma_wait3A_65, %dma_wait3A_66] : memref<2x200x128xf32, #tpu.memory_space<vmem>> -> memref<1x200x128xf32, #tpu.memory_space<vmem>>
      %dma_wait3A_68 = tpu.memref_squeeze %dma_wait3A_67 : memref<1x200x128xf32, #tpu.memory_space<vmem>> -> memref<200x128xf32, #tpu.memory_space<vmem>>
      %dma_wait3A_69 = arith.constant 0 : i32
      %dma_wait3A_70 = arith.constant 0 : i32
      %dma_wait3A_71 = tpu.memref_slice %arg3[%dma_wait3A_69, %dma_wait3A_70] : memref<1000000x128xf32, #tpu.memory_space<hbm>> -> memref<200x128xf32, #tpu.memory_space<hbm>>
      tpu.wait_dma2 semaphore(%arg8 : memref<!tpu.dma_semaphore, #tpu.memory_space<semaphore_mem>>) src(%dma_wait3A_71 : memref<200x128xf32, #tpu.memory_space<hbm>>) dst(%dma_wait3A_68 : memref<200x128xf32, #tpu.memory_space<vmem>>)
      %gt3A = arith.constant 0 : i32
      %gt3A_72 = arith.cmpi sgt, %scan3A_52, %gt3A : i32
      %convert_element_type3A = arith.extui %gt3A_72 : i1 to i32
      %cond3A = arith.constant 0 : i32
      %cond3A_73 = arith.cmpi ne, %convert_element_type3A, %cond3A : i32
      scf.if %cond3A_73 {
        %dma_wait3A_155 = arith.constant 0 : i32
        %dma_wait3A_156 = arith.constant 0 : i32
        %dma_wait3A_157 = arith.constant 0 : i32
        %dma_wait3A_158 = tpu.memref_slice %arg7[%dma_wait3A_155, %dma_wait3A_156, %dma_wait3A_157] : memref<2x200x64xf32, #tpu.memory_space<vmem>> -> memref<1x200x64xf32, #tpu.memory_space<vmem>>
        %dma_wait3A_159 = tpu.memref_squeeze %dma_wait3A_158 : memref<1x200x64xf32, #tpu.memory_space<vmem>> -> memref<200x64xf32, #tpu.memory_space<vmem>>
        %dma_wait3A_160 = arith.constant 0 : i32
        %dma_wait3A_161 = tpu.memref_slice %arg4[%mul3A_2, %dma_wait3A_160] : memref<819200x64xf32, #tpu.memory_space<hbm>> -> memref<200x64xf32, #tpu.memory_space<hbm>>
        %dma_wait3A_162 = arith.constant 0 : i32
        %dma_wait3A_163 = tpu.memref_slice %arg4[%mul3A_2, %dma_wait3A_162] : memref<819200x64xf32, #tpu.memory_space<hbm>> -> memref<200x64xf32, #tpu.memory_space<hbm>>
        %dma_wait3A_164 = arith.constant 0 : i32
        %dma_wait3A_165 = arith.constant 0 : i32
        %dma_wait3A_166 = tpu.memref_slice %arg7[%dma_wait3A_155, %dma_wait3A_164, %dma_wait3A_165] : memref<2x200x64xf32, #tpu.memory_space<vmem>> -> memref<1x200x64xf32, #tpu.memory_space<vmem>>
        %dma_wait3A_167 = tpu.memref_squeeze %dma_wait3A_166 : memref<1x200x64xf32, #tpu.memory_space<vmem>> -> memref<200x64xf32, #tpu.memory_space<vmem>>
        tpu.wait_dma2 semaphore(%arg10 : memref<!tpu.dma_semaphore, #tpu.memory_space<semaphore_mem>>) src(%dma_wait3A_167 : memref<200x64xf32, #tpu.memory_space<vmem>>) dst(%dma_wait3A_163 : memref<200x64xf32, #tpu.memory_space<hbm>>)
      } else {
      }
      %scan3A_74 = arith.constant 0 : i32
      %scan3A_75 = arith.constant 0 : i32
      %scan3A_76 = arith.constant 0 : i32
      %scan3A_77 = arith.constant 0 : i32
      %scan3A_78 = arith.constant 25 : i32
      %scan3A_79 = arith.addi %scan3A_77, %scan3A_78 : i32
      %scan3A_80 = arith.constant 1 : i32
      scf.for %scan3A_155 = %scan3A_77 to %scan3A_79 step %scan3A_80  : i32 {
        %mul3A_156 = arith.constant 8 : i32
        %mul3A_157 = arith.muli %scan3A_155, %mul3A_156 : i32
        %add3A_158 = arith.constant 0 : i32
        %add3A_159 = arith.addi %mul3A_157, %add3A_158 : i32
        %get3A = arith.constant 0 : i32
        %get3A_160 = arith.constant 0 : i32
        %get3A_161 = tpu.memref_slice %arg6[%scan3A_75, %get3A, %get3A_160] : memref<2x200x128xf32, #tpu.memory_space<vmem>> -> memref<1x200x128xf32, #tpu.memory_space<vmem>>
        %get3A_162 = tpu.memref_squeeze %get3A_161 : memref<1x200x128xf32, #tpu.memory_space<vmem>> -> memref<200x128xf32, #tpu.memory_space<vmem>>
        %get3A_163 = arith.index_cast %add3A_159 : i32 to index
        %get3A_164 = arith.constant 0 : index
        %get3A_165 = tpu.vector_load %get3A_162[%get3A_163, %get3A_164] {strides = array<i32>} : memref<200x128xf32, #tpu.memory_space<vmem>>, vector<1x16xf32>,
        %get3A_166 = vector.shape_cast %get3A_165 : vector<1x16xf32> to vector<16xf32>
        %swap3A = arith.constant 0 : i32
        %swap3A_167 = arith.constant 0 : i32
        %swap3A_168 = tpu.memref_slice %arg7[%scan3A_76, %swap3A, %swap3A_167] : memref<2x200x64xf32, #tpu.memory_space<vmem>> -> memref<1x200x64xf32, #tpu.memory_space<vmem>>
        %swap3A_169 = tpu.memref_squeeze %swap3A_168 : memref<1x200x64xf32, #tpu.memory_space<vmem>> -> memref<200x64xf32, #tpu.memory_space<vmem>>
        %swap3A_170 = arith.index_cast %add3A_159 : i32 to index
        %swap3A_171 = arith.constant 0 : index
        %swap3A_172 = tpu.vector_load %swap3A_169[%swap3A_170, %swap3A_171] {strides = array<i32>} : memref<200x64xf32, #tpu.memory_space<vmem>>, vector<1x16xf32>,
        %swap3A_173 = vector.shape_cast %swap3A_172 : vector<1x16xf32> to vector<16xf32>
        %swap3A_174 = vector.shape_cast %get3A_166 : vector<16xf32> to vector<1x16xf32>
        tpu.vector_store %swap3A_169[%swap3A_170, %swap3A_171], %swap3A_174 {strides = array<i32>} : memref<200x64xf32, #tpu.memory_space<vmem>>, vector<1x16xf32>,
        %get3A_175 = arith.constant 0 : i32
        %get3A_176 = arith.constant 0 : i32
        %get3A_177 = tpu.memref_slice %arg6[%scan3A_75, %get3A_175, %get3A_176] : memref<2x200x128xf32, #tpu.memory_space<vmem>> -> memref<1x200x128xf32, #tpu.memory_space<vmem>>
        %get3A_178 = tpu.memref_squeeze %get3A_177 : memref<1x200x128xf32, #tpu.memory_space<vmem>> -> memref<200x128xf32, #tpu.memory_space<vmem>>
        %get3A_179 = arith.index_cast %add3A_159 : i32 to index
        %get3A_180 = arith.constant 16 : index
        %get3A_181 = tpu.vector_load %get3A_178[%get3A_179, %get3A_180] {strides = array<i32>} : memref<200x128xf32, #tpu.memory_space<vmem>>, vector<1x16xf32>,
        %get3A_182 = vector.shape_cast %get3A_181 : vector<1x16xf32> to vector<16xf32>
        %swap3A_183 = arith.constant 0 : i32
        %swap3A_184 = arith.constant 0 : i32
        %swap3A_185 = tpu.memref_slice %arg7[%scan3A_76, %swap3A_183, %swap3A_184] : memref<2x200x64xf32, #tpu.memory_space<vmem>> -> memref<1x200x64xf32, #tpu.memory_space<vmem>>
        %swap3A_186 = tpu.memref_squeeze %swap3A_185 : memref<1x200x64xf32, #tpu.memory_space<vmem>> -> memref<200x64xf32, #tpu.memory_space<vmem>>
        %swap3A_187 = arith.index_cast %add3A_159 : i32 to index
        %swap3A_188 = arith.constant 16 : index
        %swap3A_189 = tpu.vector_load %swap3A_186[%swap3A_187, %swap3A_188] {strides = array<i32>} : memref<200x64xf32, #tpu.memory_space<vmem>>, vector<1x16xf32>,
        %swap3A_190 = vector.shape_cast %swap3A_189 : vector<1x16xf32> to vector<16xf32>
        %swap3A_191 = vector.shape_cast %get3A_182 : vector<16xf32> to vector<1x16xf32>
        tpu.vector_store %swap3A_186[%swap3A_187, %swap3A_188], %swap3A_191 {strides = array<i32>} : memref<200x64xf32, #tpu.memory_space<vmem>>, vector<1x16xf32>,
        %get3A_192 = arith.constant 0 : i32
        %get3A_193 = arith.constant 0 : i32
        %get3A_194 = tpu.memref_slice %arg6[%scan3A_75, %get3A_192, %get3A_193] : memref<2x200x128xf32, #tpu.memory_space<vmem>> -> memref<1x200x128xf32, #tpu.memory_space<vmem>>
        %get3A_195 = tpu.memref_squeeze %get3A_194 : memref<1x200x128xf32, #tpu.memory_space<vmem>> -> memref<200x128xf32, #tpu.memory_space<vmem>>
        %get3A_196 = arith.index_cast %add3A_159 : i32 to index
        %get3A_197 = arith.constant 32 : index
        %get3A_198 = tpu.vector_load %get3A_195[%get3A_196, %get3A_197] {strides = array<i32>} : memref<200x128xf32, #tpu.memory_space<vmem>>, vector<1x16xf32>,
        %get3A_199 = vector.shape_cast %get3A_198 : vector<1x16xf32> to vector<16xf32>
        %swap3A_200 = arith.constant 0 : i32
        %swap3A_201 = arith.constant 0 : i32
        %swap3A_202 = tpu.memref_slice %arg7[%scan3A_76, %swap3A_200, %swap3A_201] : memref<2x200x64xf32, #tpu.memory_space<vmem>> -> memref<1x200x64xf32, #tpu.memory_space<vmem>>
        %swap3A_203 = tpu.memref_squeeze %swap3A_202 : memref<1x200x64xf32, #tpu.memory_space<vmem>> -> memref<200x64xf32, #tpu.memory_space<vmem>>
        %swap3A_204 = arith.index_cast %add3A_159 : i32 to index
        %swap3A_205 = arith.constant 32 : index
        %swap3A_206 = tpu.vector_load %swap3A_203[%swap3A_204, %swap3A_205] {strides = array<i32>} : memref<200x64xf32, #tpu.memory_space<vmem>>, vector<1x16xf32>,
        %swap3A_207 = vector.shape_cast %swap3A_206 : vector<1x16xf32> to vector<16xf32>
        %swap3A_208 = vector.shape_cast %get3A_199 : vector<16xf32> to vector<1x16xf32>
        tpu.vector_store %swap3A_203[%swap3A_204, %swap3A_205], %swap3A_208 {strides = array<i32>} : memref<200x64xf32, #tpu.memory_space<vmem>>, vector<1x16xf32>,
        %get3A_209 = arith.constant 0 : i32
        %get3A_210 = arith.constant 0 : i32
        %get3A_211 = tpu.memref_slice %arg6[%scan3A_75, %get3A_209, %get3A_210] : memref<2x200x128xf32, #tpu.memory_space<vmem>> -> memref<1x200x128xf32, #tpu.memory_space<vmem>>
        %get3A_212 = tpu.memref_squeeze %get3A_211 : memref<1x200x128xf32, #tpu.memory_space<vmem>> -> memref<200x128xf32, #tpu.memory_space<vmem>>
        %get3A_213 = arith.index_cast %add3A_159 : i32 to index
        %get3A_214 = arith.constant 48 : index
        %get3A_215 = tpu.vector_load %get3A_212[%get3A_213, %get3A_214] {strides = array<i32>} : memref<200x128xf32, #tpu.memory_space<vmem>>, vector<1x16xf32>,
        %get3A_216 = vector.shape_cast %get3A_215 : vector<1x16xf32> to vector<16xf32>
        %swap3A_217 = arith.constant 0 : i32
        %swap3A_218 = arith.constant 0 : i32
        %swap3A_219 = tpu.memref_slice %arg7[%scan3A_76, %swap3A_217, %swap3A_218] : memref<2x200x64xf32, #tpu.memory_space<vmem>> -> memref<1x200x64xf32, #tpu.memory_space<vmem>>
        %swap3A_220 = tpu.memref_squeeze %swap3A_219 : memref<1x200x64xf32, #tpu.memory_space<vmem>> -> memref<200x64xf32, #tpu.memory_space<vmem>>
        %swap3A_221 = arith.index_cast %add3A_159 : i32 to index
        %swap3A_222 = arith.constant 48 : index
        %swap3A_223 = tpu.vector_load %swap3A_220[%swap3A_221, %swap3A_222] {strides = array<i32>} : memref<200x64xf32, #tpu.memory_space<vmem>>, vector<1x16xf32>,
        %swap3A_224 = vector.shape_cast %swap3A_223 : vector<1x16xf32> to vector<16xf32>
        %swap3A_225 = vector.shape_cast %get3A_216 : vector<16xf32> to vector<1x16xf32>
        tpu.vector_store %swap3A_220[%swap3A_221, %swap3A_222], %swap3A_225 {strides = array<i32>} : memref<200x64xf32, #tpu.memory_space<vmem>>, vector<1x16xf32>,
        %mul3A_226 = arith.constant 8 : i32
        %mul3A_227 = arith.muli %scan3A_155, %mul3A_226 : i32
        %add3A_228 = arith.constant 1 : i32
        %add3A_229 = arith.addi %mul3A_227, %add3A_228 : i32
        %get3A_230 = arith.constant 0 : i32
        %get3A_231 = arith.constant 0 : i32
        %get3A_232 = tpu.memref_slice %arg6[%scan3A_75, %get3A_230, %get3A_231] : memref<2x200x128xf32, #tpu.memory_space<vmem>> -> memref<1x200x128xf32, #tpu.memory_space<vmem>>
        %get3A_233 = tpu.memref_squeeze %get3A_232 : memref<1x200x128xf32, #tpu.memory_space<vmem>> -> memref<200x128xf32, #tpu.memory_space<vmem>>
        %get3A_234 = arith.index_cast %add3A_229 : i32 to index
        %get3A_235 = arith.constant 0 : index
        %get3A_236 = tpu.vector_load %get3A_233[%get3A_234, %get3A_235] {strides = array<i32>} : memref<200x128xf32, #tpu.memory_space<vmem>>, vector<1x16xf32>,
        %get3A_237 = vector.shape_cast %get3A_236 : vector<1x16xf32> to vector<16xf32>
        %swap3A_238 = arith.constant 0 : i32
        %swap3A_239 = arith.constant 0 : i32
        %swap3A_240 = tpu.memref_slice %arg7[%scan3A_76, %swap3A_238, %swap3A_239] : memref<2x200x64xf32, #tpu.memory_space<vmem>> -> memref<1x200x64xf32, #tpu.memory_space<vmem>>
        %swap3A_241 = tpu.memref_squeeze %swap3A_240 : memref<1x200x64xf32, #tpu.memory_space<vmem>> -> memref<200x64xf32, #tpu.memory_space<vmem>>
        %swap3A_242 = arith.index_cast %add3A_229 : i32 to index
        %swap3A_243 = arith.constant 0 : index
        %swap3A_244 = tpu.vector_load %swap3A_241[%swap3A_242, %swap3A_243] {strides = array<i32>} : memref<200x64xf32, #tpu.memory_space<vmem>>, vector<1x16xf32>,
        %swap3A_245 = vector.shape_cast %swap3A_244 : vector<1x16xf32> to vector<16xf32>
        %swap3A_246 = vector.shape_cast %get3A_237 : vector<16xf32> to vector<1x16xf32>
        tpu.vector_store %swap3A_241[%swap3A_242, %swap3A_243], %swap3A_246 {strides = array<i32>} : memref<200x64xf32, #tpu.memory_space<vmem>>, vector<1x16xf32>,
        %get3A_247 = arith.constant 0 : i32
        %get3A_248 = arith.constant 0 : i32
        %get3A_249 = tpu.memref_slice %arg6[%scan3A_75, %get3A_247, %get3A_248] : memref<2x200x128xf32, #tpu.memory_space<vmem>> -> memref<1x200x128xf32, #tpu.memory_space<vmem>>
        %get3A_250 = tpu.memref_squeeze %get3A_249 : memref<1x200x128xf32, #tpu.memory_space<vmem>> -> memref<200x128xf32, #tpu.memory_space<vmem>>
        %get3A_251 = arith.index_cast %add3A_229 : i32 to index
        %get3A_252 = arith.constant 16 : index
        %get3A_253 = tpu.vector_load %get3A_250[%get3A_251, %get3A_252] {strides = array<i32>} : memref<200x128xf32, #tpu.memory_space<vmem>>, vector<1x16xf32>,
        %get3A_254 = vector.shape_cast %get3A_253 : vector<1x16xf32> to vector<16xf32>
        %swap3A_255 = arith.constant 0 : i32
        %swap3A_256 = arith.constant 0 : i32
        %swap3A_257 = tpu.memref_slice %arg7[%scan3A_76, %swap3A_255, %swap3A_256] : memref<2x200x64xf32, #tpu.memory_space<vmem>> -> memref<1x200x64xf32, #tpu.memory_space<vmem>>
        %swap3A_258 = tpu.memref_squeeze %swap3A_257 : memref<1x200x64xf32, #tpu.memory_space<vmem>> -> memref<200x64xf32, #tpu.memory_space<vmem>>
        %swap3A_259 = arith.index_cast %add3A_229 : i32 to index
        %swap3A_260 = arith.constant 16 : index
        %swap3A_261 = tpu.vector_load %swap3A_258[%swap3A_259, %swap3A_260] {strides = array<i32>} : memref<200x64xf32, #tpu.memory_space<vmem>>, vector<1x16xf32>,
        %swap3A_262 = vector.shape_cast %swap3A_261 : vector<1x16xf32> to vector<16xf32>
        %swap3A_263 = vector.shape_cast %get3A_254 : vector<16xf32> to vector<1x16xf32>
        tpu.vector_store %swap3A_258[%swap3A_259, %swap3A_260], %swap3A_263 {strides = array<i32>} : memref<200x64xf32, #tpu.memory_space<vmem>>, vector<1x16xf32>,
        %get3A_264 = arith.constant 0 : i32
        %get3A_265 = arith.constant 0 : i32
        %get3A_266 = tpu.memref_slice %arg6[%scan3A_75, %get3A_264, %get3A_265] : memref<2x200x128xf32, #tpu.memory_space<vmem>> -> memref<1x200x128xf32, #tpu.memory_space<vmem>>
        %get3A_267 = tpu.memref_squeeze %get3A_266 : memref<1x200x128xf32, #tpu.memory_space<vmem>> -> memref<200x128xf32, #tpu.memory_space<vmem>>
        %get3A_268 = arith.index_cast %add3A_229 : i32 to index
        %get3A_269 = arith.constant 32 : index
        %get3A_270 = tpu.vector_load %get3A_267[%get3A_268, %get3A_269] {strides = array<i32>} : memref<200x128xf32, #tpu.memory_space<vmem>>, vector<1x16xf32>,
        %get3A_271 = vector.shape_cast %get3A_270 : vector<1x16xf32> to vector<16xf32>
        %swap3A_272 = arith.constant 0 : i32
        %swap3A_273 = arith.constant 0 : i32
        %swap3A_274 = tpu.memref_slice %arg7[%scan3A_76, %swap3A_272, %swap3A_273] : memref<2x200x64xf32, #tpu.memory_space<vmem>> -> memref<1x200x64xf32, #tpu.memory_space<vmem>>
        %swap3A_275 = tpu.memref_squeeze %swap3A_274 : memref<1x200x64xf32, #tpu.memory_space<vmem>> -> memref<200x64xf32, #tpu.memory_space<vmem>>
        %swap3A_276 = arith.index_cast %add3A_229 : i32 to index
        %swap3A_277 = arith.constant 32 : index
        %swap3A_278 = tpu.vector_load %swap3A_275[%swap3A_276, %swap3A_277] {strides = array<i32>} : memref<200x64xf32, #tpu.memory_space<vmem>>, vector<1x16xf32>,
        %swap3A_279 = vector.shape_cast %swap3A_278 : vector<1x16xf32> to vector<16xf32>
        %swap3A_280 = vector.shape_cast %get3A_271 : vector<16xf32> to vector<1x16xf32>
        tpu.vector_store %swap3A_275[%swap3A_276, %swap3A_277], %swap3A_280 {strides = array<i32>} : memref<200x64xf32, #tpu.memory_space<vmem>>, vector<1x16xf32>,
        %get3A_281 = arith.constant 0 : i32
        %get3A_282 = arith.constant 0 : i32
        %get3A_283 = tpu.memref_slice %arg6[%scan3A_75, %get3A_281, %get3A_282] : memref<2x200x128xf32, #tpu.memory_space<vmem>> -> memref<1x200x128xf32, #tpu.memory_space<vmem>>
        %get3A_284 = tpu.memref_squeeze %get3A_283 : memref<1x200x128xf32, #tpu.memory_space<vmem>> -> memref<200x128xf32, #tpu.memory_space<vmem>>
        %get3A_285 = arith.index_cast %add3A_229 : i32 to index
        %get3A_286 = arith.constant 48 : index
        %get3A_287 = tpu.vector_load %get3A_284[%get3A_285, %get3A_286] {strides = array<i32>} : memref<200x128xf32, #tpu.memory_space<vmem>>, vector<1x16xf32>,
        %get3A_288 = vector.shape_cast %get3A_287 : vector<1x16xf32> to vector<16xf32>
        %swap3A_289 = arith.constant 0 : i32
        %swap3A_290 = arith.constant 0 : i32
        %swap3A_291 = tpu.memref_slice %arg7[%scan3A_76, %swap3A_289, %swap3A_290] : memref<2x200x64xf32, #tpu.memory_space<vmem>> -> memref<1x200x64xf32, #tpu.memory_space<vmem>>
        %swap3A_292 = tpu.memref_squeeze %swap3A_291 : memref<1x200x64xf32, #tpu.memory_space<vmem>> -> memref<200x64xf32, #tpu.memory_space<vmem>>
        %swap3A_293 = arith.index_cast %add3A_229 : i32 to index
        %swap3A_294 = arith.constant 48 : index
        %swap3A_295 = tpu.vector_load %swap3A_292[%swap3A_293, %swap3A_294] {strides = array<i32>} : memref<200x64xf32, #tpu.memory_space<vmem>>, vector<1x16xf32>,
        %swap3A_296 = vector.shape_cast %swap3A_295 : vector<1x16xf32> to vector<16xf32>
        %swap3A_297 = vector.shape_cast %get3A_288 : vector<16xf32> to vector<1x16xf32>
        tpu.vector_store %swap3A_292[%swap3A_293, %swap3A_294], %swap3A_297 {strides = array<i32>} : memref<200x64xf32, #tpu.memory_space<vmem>>, vector<1x16xf32>,
        %mul3A_298 = arith.constant 8 : i32
        %mul3A_299 = arith.muli %scan3A_155, %mul3A_298 : i32
        %add3A_300 = arith.constant 2 : i32
        %add3A_301 = arith.addi %mul3A_299, %add3A_300 : i32
        %get3A_302 = arith.constant 0 : i32
        %get3A_303 = arith.constant 0 : i32
        %get3A_304 = tpu.memref_slice %arg6[%scan3A_75, %get3A_302, %get3A_303] : memref<2x200x128xf32, #tpu.memory_space<vmem>> -> memref<1x200x128xf32, #tpu.memory_space<vmem>>
        %get3A_305 = tpu.memref_squeeze %get3A_304 : memref<1x200x128xf32, #tpu.memory_space<vmem>> -> memref<200x128xf32, #tpu.memory_space<vmem>>
        %get3A_306 = arith.index_cast %add3A_301 : i32 to index
        %get3A_307 = arith.constant 0 : index
        %get3A_308 = tpu.vector_load %get3A_305[%get3A_306, %get3A_307] {strides = array<i32>} : memref<200x128xf32, #tpu.memory_space<vmem>>, vector<1x16xf32>,
        %get3A_309 = vector.shape_cast %get3A_308 : vector<1x16xf32> to vector<16xf32>
        %swap3A_310 = arith.constant 0 : i32
        %swap3A_311 = arith.constant 0 : i32
        %swap3A_312 = tpu.memref_slice %arg7[%scan3A_76, %swap3A_310, %swap3A_311] : memref<2x200x64xf32, #tpu.memory_space<vmem>> -> memref<1x200x64xf32, #tpu.memory_space<vmem>>
        %swap3A_313 = tpu.memref_squeeze %swap3A_312 : memref<1x200x64xf32, #tpu.memory_space<vmem>> -> memref<200x64xf32, #tpu.memory_space<vmem>>
        %swap3A_314 = arith.index_cast %add3A_301 : i32 to index
        %swap3A_315 = arith.constant 0 : index
        %swap3A_316 = tpu.vector_load %swap3A_313[%swap3A_314, %swap3A_315] {strides = array<i32>} : memref<200x64xf32, #tpu.memory_space<vmem>>, vector<1x16xf32>,
        %swap3A_317 = vector.shape_cast %swap3A_316 : vector<1x16xf32> to vector<16xf32>
        %swap3A_318 = vector.shape_cast %get3A_309 : vector<16xf32> to vector<1x16xf32>
        tpu.vector_store %swap3A_313[%swap3A_314, %swap3A_315], %swap3A_318 {strides = array<i32>} : memref<200x64xf32, #tpu.memory_space<vmem>>, vector<1x16xf32>,
        %get3A_319 = arith.constant 0 : i32
        %get3A_320 = arith.constant 0 : i32
        %get3A_321 = tpu.memref_slice %arg6[%scan3A_75, %get3A_319, %get3A_320] : memref<2x200x128xf32, #tpu.memory_space<vmem>> -> memref<1x200x128xf32, #tpu.memory_space<vmem>>
        %get3A_322 = tpu.memref_squeeze %get3A_321 : memref<1x200x128xf32, #tpu.memory_space<vmem>> -> memref<200x128xf32, #tpu.memory_space<vmem>>
        %get3A_323 = arith.index_cast %add3A_301 : i32 to index
        %get3A_324 = arith.constant 16 : index
        %get3A_325 = tpu.vector_load %get3A_322[%get3A_323, %get3A_324] {strides = array<i32>} : memref<200x128xf32, #tpu.memory_space<vmem>>, vector<1x16xf32>,
        %get3A_326 = vector.shape_cast %get3A_325 : vector<1x16xf32> to vector<16xf32>
        %swap3A_327 = arith.constant 0 : i32
        %swap3A_328 = arith.constant 0 : i32
        %swap3A_329 = tpu.memref_slice %arg7[%scan3A_76, %swap3A_327, %swap3A_328] : memref<2x200x64xf32, #tpu.memory_space<vmem>> -> memref<1x200x64xf32, #tpu.memory_space<vmem>>
        %swap3A_330 = tpu.memref_squeeze %swap3A_329 : memref<1x200x64xf32, #tpu.memory_space<vmem>> -> memref<200x64xf32, #tpu.memory_space<vmem>>
        %swap3A_331 = arith.index_cast %add3A_301 : i32 to index
        %swap3A_332 = arith.constant 16 : index
        %swap3A_333 = tpu.vector_load %swap3A_330[%swap3A_331, %swap3A_332] {strides = array<i32>} : memref<200x64xf32, #tpu.memory_space<vmem>>, vector<1x16xf32>,
        %swap3A_334 = vector.shape_cast %swap3A_333 : vector<1x16xf32> to vector<16xf32>
        %swap3A_335 = vector.shape_cast %get3A_326 : vector<16xf32> to vector<1x16xf32>
        tpu.vector_store %swap3A_330[%swap3A_331, %swap3A_332], %swap3A_335 {strides = array<i32>} : memref<200x64xf32, #tpu.memory_space<vmem>>, vector<1x16xf32>,
        %get3A_336 = arith.constant 0 : i32
        %get3A_337 = arith.constant 0 : i32
        %get3A_338 = tpu.memref_slice %arg6[%scan3A_75, %get3A_336, %get3A_337] : memref<2x200x128xf32, #tpu.memory_space<vmem>> -> memref<1x200x128xf32, #tpu.memory_space<vmem>>
        %get3A_339 = tpu.memref_squeeze %get3A_338 : memref<1x200x128xf32, #tpu.memory_space<vmem>> -> memref<200x128xf32, #tpu.memory_space<vmem>>
        %get3A_340 = arith.index_cast %add3A_301 : i32 to index
        %get3A_341 = arith.constant 32 : index
        %get3A_342 = tpu.vector_load %get3A_339[%get3A_340, %get3A_341] {strides = array<i32>} : memref<200x128xf32, #tpu.memory_space<vmem>>, vector<1x16xf32>,
        %get3A_343 = vector.shape_cast %get3A_342 : vector<1x16xf32> to vector<16xf32>
        %swap3A_344 = arith.constant 0 : i32
        %swap3A_345 = arith.constant 0 : i32
        %swap3A_346 = tpu.memref_slice %arg7[%scan3A_76, %swap3A_344, %swap3A_345] : memref<2x200x64xf32, #tpu.memory_space<vmem>> -> memref<1x200x64xf32, #tpu.memory_space<vmem>>
        %swap3A_347 = tpu.memref_squeeze %swap3A_346 : memref<1x200x64xf32, #tpu.memory_space<vmem>> -> memref<200x64xf32, #tpu.memory_space<vmem>>
        %swap3A_348 = arith.index_cast %add3A_301 : i32 to index
        %swap3A_349 = arith.constant 32 : index
        %swap3A_350 = tpu.vector_load %swap3A_347[%swap3A_348, %swap3A_349] {strides = array<i32>} : memref<200x64xf32, #tpu.memory_space<vmem>>, vector<1x16xf32>,
        %swap3A_351 = vector.shape_cast %swap3A_350 : vector<1x16xf32> to vector<16xf32>
        %swap3A_352 = vector.shape_cast %get3A_343 : vector<16xf32> to vector<1x16xf32>
        tpu.vector_store %swap3A_347[%swap3A_348, %swap3A_349], %swap3A_352 {strides = array<i32>} : memref<200x64xf32, #tpu.memory_space<vmem>>, vector<1x16xf32>,
        %get3A_353 = arith.constant 0 : i32
        %get3A_354 = arith.constant 0 : i32
        %get3A_355 = tpu.memref_slice %arg6[%scan3A_75, %get3A_353, %get3A_354] : memref<2x200x128xf32, #tpu.memory_space<vmem>> -> memref<1x200x128xf32, #tpu.memory_space<vmem>>
        %get3A_356 = tpu.memref_squeeze %get3A_355 : memref<1x200x128xf32, #tpu.memory_space<vmem>> -> memref<200x128xf32, #tpu.memory_space<vmem>>
        %get3A_357 = arith.index_cast %add3A_301 : i32 to index
        %get3A_358 = arith.constant 48 : index
        %get3A_359 = tpu.vector_load %get3A_356[%get3A_357, %get3A_358] {strides = array<i32>} : memref<200x128xf32, #tpu.memory_space<vmem>>, vector<1x16xf32>,
        %get3A_360 = vector.shape_cast %get3A_359 : vector<1x16xf32> to vector<16xf32>
        %swap3A_361 = arith.constant 0 : i32
        %swap3A_362 = arith.constant 0 : i32
        %swap3A_363 = tpu.memref_slice %arg7[%scan3A_76, %swap3A_361, %swap3A_362] : memref<2x200x64xf32, #tpu.memory_space<vmem>> -> memref<1x200x64xf32, #tpu.memory_space<vmem>>
        %swap3A_364 = tpu.memref_squeeze %swap3A_363 : memref<1x200x64xf32, #tpu.memory_space<vmem>> -> memref<200x64xf32, #tpu.memory_space<vmem>>
        %swap3A_365 = arith.index_cast %add3A_301 : i32 to index
        %swap3A_366 = arith.constant 48 : index
        %swap3A_367 = tpu.vector_load %swap3A_364[%swap3A_365, %swap3A_366] {strides = array<i32>} : memref<200x64xf32, #tpu.memory_space<vmem>>, vector<1x16xf32>,
        %swap3A_368 = vector.shape_cast %swap3A_367 : vector<1x16xf32> to vector<16xf32>
        %swap3A_369 = vector.shape_cast %get3A_360 : vector<16xf32> to vector<1x16xf32>
        tpu.vector_store %swap3A_364[%swap3A_365, %swap3A_366], %swap3A_369 {strides = array<i32>} : memref<200x64xf32, #tpu.memory_space<vmem>>, vector<1x16xf32>,
        %mul3A_370 = arith.constant 8 : i32
        %mul3A_371 = arith.muli %scan3A_155, %mul3A_370 : i32
        %add3A_372 = arith.constant 3 : i32
        %add3A_373 = arith.addi %mul3A_371, %add3A_372 : i32
        %get3A_374 = arith.constant 0 : i32
        %get3A_375 = arith.constant 0 : i32
        %get3A_376 = tpu.memref_slice %arg6[%scan3A_75, %get3A_374, %get3A_375] : memref<2x200x128xf32, #tpu.memory_space<vmem>> -> memref<1x200x128xf32, #tpu.memory_space<vmem>>
        %get3A_377 = tpu.memref_squeeze %get3A_376 : memref<1x200x128xf32, #tpu.memory_space<vmem>> -> memref<200x128xf32, #tpu.memory_space<vmem>>
        %get3A_378 = arith.index_cast %add3A_373 : i32 to index
        %get3A_379 = arith.constant 0 : index
        %get3A_380 = tpu.vector_load %get3A_377[%get3A_378, %get3A_379] {strides = array<i32>} : memref<200x128xf32, #tpu.memory_space<vmem>>, vector<1x16xf32>,
        %get3A_381 = vector.shape_cast %get3A_380 : vector<1x16xf32> to vector<16xf32>
        %swap3A_382 = arith.constant 0 : i32
        %swap3A_383 = arith.constant 0 : i32
        %swap3A_384 = tpu.memref_slice %arg7[%scan3A_76, %swap3A_382, %swap3A_383] : memref<2x200x64xf32, #tpu.memory_space<vmem>> -> memref<1x200x64xf32, #tpu.memory_space<vmem>>
        %swap3A_385 = tpu.memref_squeeze %swap3A_384 : memref<1x200x64xf32, #tpu.memory_space<vmem>> -> memref<200x64xf32, #tpu.memory_space<vmem>>
        %swap3A_386 = arith.index_cast %add3A_373 : i32 to index
        %swap3A_387 = arith.constant 0 : index
        %swap3A_388 = tpu.vector_load %swap3A_385[%swap3A_386, %swap3A_387] {strides = array<i32>} : memref<200x64xf32, #tpu.memory_space<vmem>>, vector<1x16xf32>,
        %swap3A_389 = vector.shape_cast %swap3A_388 : vector<1x16xf32> to vector<16xf32>
        %swap3A_390 = vector.shape_cast %get3A_381 : vector<16xf32> to vector<1x16xf32>
        tpu.vector_store %swap3A_385[%swap3A_386, %swap3A_387], %swap3A_390 {strides = array<i32>} : memref<200x64xf32, #tpu.memory_space<vmem>>, vector<1x16xf32>,
        %get3A_391 = arith.constant 0 : i32
        %get3A_392 = arith.constant 0 : i32
        %get3A_393 = tpu.memref_slice %arg6[%scan3A_75, %get3A_391, %get3A_392] : memref<2x200x128xf32, #tpu.memory_space<vmem>> -> memref<1x200x128xf32, #tpu.memory_space<vmem>>
        %get3A_394 = tpu.memref_squeeze %get3A_393 : memref<1x200x128xf32, #tpu.memory_space<vmem>> -> memref<200x128xf32, #tpu.memory_space<vmem>>
        %get3A_395 = arith.index_cast %add3A_373 : i32 to index
        %get3A_396 = arith.constant 16 : index
        %get3A_397 = tpu.vector_load %get3A_394[%get3A_395, %get3A_396] {strides = array<i32>} : memref<200x128xf32, #tpu.memory_space<vmem>>, vector<1x16xf32>,
        %get3A_398 = vector.shape_cast %get3A_397 : vector<1x16xf32> to vector<16xf32>
        %swap3A_399 = arith.constant 0 : i32
        %swap3A_400 = arith.constant 0 : i32
        %swap3A_401 = tpu.memref_slice %arg7[%scan3A_76, %swap3A_399, %swap3A_400] : memref<2x200x64xf32, #tpu.memory_space<vmem>> -> memref<1x200x64xf32, #tpu.memory_space<vmem>>
        %swap3A_402 = tpu.memref_squeeze %swap3A_401 : memref<1x200x64xf32, #tpu.memory_space<vmem>> -> memref<200x64xf32, #tpu.memory_space<vmem>>
        %swap3A_403 = arith.index_cast %add3A_373 : i32 to index
        %swap3A_404 = arith.constant 16 : index
        %swap3A_405 = tpu.vector_load %swap3A_402[%swap3A_403, %swap3A_404] {strides = array<i32>} : memref<200x64xf32, #tpu.memory_space<vmem>>, vector<1x16xf32>,
        %swap3A_406 = vector.shape_cast %swap3A_405 : vector<1x16xf32> to vector<16xf32>
        %swap3A_407 = vector.shape_cast %get3A_398 : vector<16xf32> to vector<1x16xf32>
        tpu.vector_store %swap3A_402[%swap3A_403, %swap3A_404], %swap3A_407 {strides = array<i32>} : memref<200x64xf32, #tpu.memory_space<vmem>>, vector<1x16xf32>,
        %get3A_408 = arith.constant 0 : i32
        %get3A_409 = arith.constant 0 : i32
        %get3A_410 = tpu.memref_slice %arg6[%scan3A_75, %get3A_408, %get3A_409] : memref<2x200x128xf32, #tpu.memory_space<vmem>> -> memref<1x200x128xf32, #tpu.memory_space<vmem>>
        %get3A_411 = tpu.memref_squeeze %get3A_410 : memref<1x200x128xf32, #tpu.memory_space<vmem>> -> memref<200x128xf32, #tpu.memory_space<vmem>>
        %get3A_412 = arith.index_cast %add3A_373 : i32 to index
        %get3A_413 = arith.constant 32 : index
        %get3A_414 = tpu.vector_load %get3A_411[%get3A_412, %get3A_413] {strides = array<i32>} : memref<200x128xf32, #tpu.memory_space<vmem>>, vector<1x16xf32>,
        %get3A_415 = vector.shape_cast %get3A_414 : vector<1x16xf32> to vector<16xf32>
        %swap3A_416 = arith.constant 0 : i32
        %swap3A_417 = arith.constant 0 : i32
        %swap3A_418 = tpu.memref_slice %arg7[%scan3A_76, %swap3A_416, %swap3A_417] : memref<2x200x64xf32, #tpu.memory_space<vmem>> -> memref<1x200x64xf32, #tpu.memory_space<vmem>>
        %swap3A_419 = tpu.memref_squeeze %swap3A_418 : memref<1x200x64xf32, #tpu.memory_space<vmem>> -> memref<200x64xf32, #tpu.memory_space<vmem>>
        %swap3A_420 = arith.index_cast %add3A_373 : i32 to index
        %swap3A_421 = arith.constant 32 : index
        %swap3A_422 = tpu.vector_load %swap3A_419[%swap3A_420, %swap3A_421] {strides = array<i32>} : memref<200x64xf32, #tpu.memory_space<vmem>>, vector<1x16xf32>,
        %swap3A_423 = vector.shape_cast %swap3A_422 : vector<1x16xf32> to vector<16xf32>
        %swap3A_424 = vector.shape_cast %get3A_415 : vector<16xf32> to vector<1x16xf32>
        tpu.vector_store %swap3A_419[%swap3A_420, %swap3A_421], %swap3A_424 {strides = array<i32>} : memref<200x64xf32, #tpu.memory_space<vmem>>, vector<1x16xf32>,
        %get3A_425 = arith.constant 0 : i32
        %get3A_426 = arith.constant 0 : i32
        %get3A_427 = tpu.memref_slice %arg6[%scan3A_75, %get3A_425, %get3A_426] : memref<2x200x128xf32, #tpu.memory_space<vmem>> -> memref<1x200x128xf32, #tpu.memory_space<vmem>>
        %get3A_428 = tpu.memref_squeeze %get3A_427 : memref<1x200x128xf32, #tpu.memory_space<vmem>> -> memref<200x128xf32, #tpu.memory_space<vmem>>
        %get3A_429 = arith.index_cast %add3A_373 : i32 to index
        %get3A_430 = arith.constant 48 : index
        %get3A_431 = tpu.vector_load %get3A_428[%get3A_429, %get3A_430] {strides = array<i32>} : memref<200x128xf32, #tpu.memory_space<vmem>>, vector<1x16xf32>,
        %get3A_432 = vector.shape_cast %get3A_431 : vector<1x16xf32> to vector<16xf32>
        %swap3A_433 = arith.constant 0 : i32
        %swap3A_434 = arith.constant 0 : i32
        %swap3A_435 = tpu.memref_slice %arg7[%scan3A_76, %swap3A_433, %swap3A_434] : memref<2x200x64xf32, #tpu.memory_space<vmem>> -> memref<1x200x64xf32, #tpu.memory_space<vmem>>
        %swap3A_436 = tpu.memref_squeeze %swap3A_435 : memref<1x200x64xf32, #tpu.memory_space<vmem>> -> memref<200x64xf32, #tpu.memory_space<vmem>>
        %swap3A_437 = arith.index_cast %add3A_373 : i32 to index
        %swap3A_438 = arith.constant 48 : index
        %swap3A_439 = tpu.vector_load %swap3A_436[%swap3A_437, %swap3A_438] {strides = array<i32>} : memref<200x64xf32, #tpu.memory_space<vmem>>, vector<1x16xf32>,
        %swap3A_440 = vector.shape_cast %swap3A_439 : vector<1x16xf32> to vector<16xf32>
        %swap3A_441 = vector.shape_cast %get3A_432 : vector<16xf32> to vector<1x16xf32>
        tpu.vector_store %swap3A_436[%swap3A_437, %swap3A_438], %swap3A_441 {strides = array<i32>} : memref<200x64xf32, #tpu.memory_space<vmem>>, vector<1x16xf32>,
        %mul3A_442 = arith.constant 8 : i32
        %mul3A_443 = arith.muli %scan3A_155, %mul3A_442 : i32
        %add3A_444 = arith.constant 4 : i32
        %add3A_445 = arith.addi %mul3A_443, %add3A_444 : i32
        %get3A_446 = arith.constant 0 : i32
        %get3A_447 = arith.constant 0 : i32
        %get3A_448 = tpu.memref_slice %arg6[%scan3A_75, %get3A_446, %get3A_447] : memref<2x200x128xf32, #tpu.memory_space<vmem>> -> memref<1x200x128xf32, #tpu.memory_space<vmem>>
        %get3A_449 = tpu.memref_squeeze %get3A_448 : memref<1x200x128xf32, #tpu.memory_space<vmem>> -> memref<200x128xf32, #tpu.memory_space<vmem>>
        %get3A_450 = arith.index_cast %add3A_445 : i32 to index
        %get3A_451 = arith.constant 0 : index
        %get3A_452 = tpu.vector_load %get3A_449[%get3A_450, %get3A_451] {strides = array<i32>} : memref<200x128xf32, #tpu.memory_space<vmem>>, vector<1x16xf32>,
        %get3A_453 = vector.shape_cast %get3A_452 : vector<1x16xf32> to vector<16xf32>
        %swap3A_454 = arith.constant 0 : i32
        %swap3A_455 = arith.constant 0 : i32
        %swap3A_456 = tpu.memref_slice %arg7[%scan3A_76, %swap3A_454, %swap3A_455] : memref<2x200x64xf32, #tpu.memory_space<vmem>> -> memref<1x200x64xf32, #tpu.memory_space<vmem>>
        %swap3A_457 = tpu.memref_squeeze %swap3A_456 : memref<1x200x64xf32, #tpu.memory_space<vmem>> -> memref<200x64xf32, #tpu.memory_space<vmem>>
        %swap3A_458 = arith.index_cast %add3A_445 : i32 to index
        %swap3A_459 = arith.constant 0 : index
        %swap3A_460 = tpu.vector_load %swap3A_457[%swap3A_458, %swap3A_459] {strides = array<i32>} : memref<200x64xf32, #tpu.memory_space<vmem>>, vector<1x16xf32>,
        %swap3A_461 = vector.shape_cast %swap3A_460 : vector<1x16xf32> to vector<16xf32>
        %swap3A_462 = vector.shape_cast %get3A_453 : vector<16xf32> to vector<1x16xf32>
        tpu.vector_store %swap3A_457[%swap3A_458, %swap3A_459], %swap3A_462 {strides = array<i32>} : memref<200x64xf32, #tpu.memory_space<vmem>>, vector<1x16xf32>,
        %get3A_463 = arith.constant 0 : i32
        %get3A_464 = arith.constant 0 : i32
        %get3A_465 = tpu.memref_slice %arg6[%scan3A_75, %get3A_463, %get3A_464] : memref<2x200x128xf32, #tpu.memory_space<vmem>> -> memref<1x200x128xf32, #tpu.memory_space<vmem>>
        %get3A_466 = tpu.memref_squeeze %get3A_465 : memref<1x200x128xf32, #tpu.memory_space<vmem>> -> memref<200x128xf32, #tpu.memory_space<vmem>>
        %get3A_467 = arith.index_cast %add3A_445 : i32 to index
        %get3A_468 = arith.constant 16 : index
        %get3A_469 = tpu.vector_load %get3A_466[%get3A_467, %get3A_468] {strides = array<i32>} : memref<200x128xf32, #tpu.memory_space<vmem>>, vector<1x16xf32>,
        %get3A_470 = vector.shape_cast %get3A_469 : vector<1x16xf32> to vector<16xf32>
        %swap3A_471 = arith.constant 0 : i32
        %swap3A_472 = arith.constant 0 : i32
        %swap3A_473 = tpu.memref_slice %arg7[%scan3A_76, %swap3A_471, %swap3A_472] : memref<2x200x64xf32, #tpu.memory_space<vmem>> -> memref<1x200x64xf32, #tpu.memory_space<vmem>>
        %swap3A_474 = tpu.memref_squeeze %swap3A_473 : memref<1x200x64xf32, #tpu.memory_space<vmem>> -> memref<200x64xf32, #tpu.memory_space<vmem>>
        %swap3A_475 = arith.index_cast %add3A_445 : i32 to index
        %swap3A_476 = arith.constant 16 : index
        %swap3A_477 = tpu.vector_load %swap3A_474[%swap3A_475, %swap3A_476] {strides = array<i32>} : memref<200x64xf32, #tpu.memory_space<vmem>>, vector<1x16xf32>,
        %swap3A_478 = vector.shape_cast %swap3A_477 : vector<1x16xf32> to vector<16xf32>
        %swap3A_479 = vector.shape_cast %get3A_470 : vector<16xf32> to vector<1x16xf32>
        tpu.vector_store %swap3A_474[%swap3A_475, %swap3A_476], %swap3A_479 {strides = array<i32>} : memref<200x64xf32, #tpu.memory_space<vmem>>, vector<1x16xf32>,
        %get3A_480 = arith.constant 0 : i32
        %get3A_481 = arith.constant 0 : i32
        %get3A_482 = tpu.memref_slice %arg6[%scan3A_75, %get3A_480, %get3A_481] : memref<2x200x128xf32, #tpu.memory_space<vmem>> -> memref<1x200x128xf32, #tpu.memory_space<vmem>>
        %get3A_483 = tpu.memref_squeeze %get3A_482 : memref<1x200x128xf32, #tpu.memory_space<vmem>> -> memref<200x128xf32, #tpu.memory_space<vmem>>
        %get3A_484 = arith.index_cast %add3A_445 : i32 to index
        %get3A_485 = arith.constant 32 : index
        %get3A_486 = tpu.vector_load %get3A_483[%get3A_484, %get3A_485] {strides = array<i32>} : memref<200x128xf32, #tpu.memory_space<vmem>>, vector<1x16xf32>,
        %get3A_487 = vector.shape_cast %get3A_486 : vector<1x16xf32> to vector<16xf32>
        %swap3A_488 = arith.constant 0 : i32
        %swap3A_489 = arith.constant 0 : i32
        %swap3A_490 = tpu.memref_slice %arg7[%scan3A_76, %swap3A_488, %swap3A_489] : memref<2x200x64xf32, #tpu.memory_space<vmem>> -> memref<1x200x64xf32, #tpu.memory_space<vmem>>
        %swap3A_491 = tpu.memref_squeeze %swap3A_490 : memref<1x200x64xf32, #tpu.memory_space<vmem>> -> memref<200x64xf32, #tpu.memory_space<vmem>>
        %swap3A_492 = arith.index_cast %add3A_445 : i32 to index
        %swap3A_493 = arith.constant 32 : index
        %swap3A_494 = tpu.vector_load %swap3A_491[%swap3A_492, %swap3A_493] {strides = array<i32>} : memref<200x64xf32, #tpu.memory_space<vmem>>, vector<1x16xf32>,
        %swap3A_495 = vector.shape_cast %swap3A_494 : vector<1x16xf32> to vector<16xf32>
        %swap3A_496 = vector.shape_cast %get3A_487 : vector<16xf32> to vector<1x16xf32>
        tpu.vector_store %swap3A_491[%swap3A_492, %swap3A_493], %swap3A_496 {strides = array<i32>} : memref<200x64xf32, #tpu.memory_space<vmem>>, vector<1x16xf32>,
        %get3A_497 = arith.constant 0 : i32
        %get3A_498 = arith.constant 0 : i32
        %get3A_499 = tpu.memref_slice %arg6[%scan3A_75, %get3A_497, %get3A_498] : memref<2x200x128xf32, #tpu.memory_space<vmem>> -> memref<1x200x128xf32, #tpu.memory_space<vmem>>
        %get3A_500 = tpu.memref_squeeze %get3A_499 : memref<1x200x128xf32, #tpu.memory_space<vmem>> -> memref<200x128xf32, #tpu.memory_space<vmem>>
        %get3A_501 = arith.index_cast %add3A_445 : i32 to index
        %get3A_502 = arith.constant 48 : index
        %get3A_503 = tpu.vector_load %get3A_500[%get3A_501, %get3A_502] {strides = array<i32>} : memref<200x128xf32, #tpu.memory_space<vmem>>, vector<1x16xf32>,
        %get3A_504 = vector.shape_cast %get3A_503 : vector<1x16xf32> to vector<16xf32>
        %swap3A_505 = arith.constant 0 : i32
        %swap3A_506 = arith.constant 0 : i32
        %swap3A_507 = tpu.memref_slice %arg7[%scan3A_76, %swap3A_505, %swap3A_506] : memref<2x200x64xf32, #tpu.memory_space<vmem>> -> memref<1x200x64xf32, #tpu.memory_space<vmem>>
        %swap3A_508 = tpu.memref_squeeze %swap3A_507 : memref<1x200x64xf32, #tpu.memory_space<vmem>> -> memref<200x64xf32, #tpu.memory_space<vmem>>
        %swap3A_509 = arith.index_cast %add3A_445 : i32 to index
        %swap3A_510 = arith.constant 48 : index
        %swap3A_511 = tpu.vector_load %swap3A_508[%swap3A_509, %swap3A_510] {strides = array<i32>} : memref<200x64xf32, #tpu.memory_space<vmem>>, vector<1x16xf32>,
        %swap3A_512 = vector.shape_cast %swap3A_511 : vector<1x16xf32> to vector<16xf32>
        %swap3A_513 = vector.shape_cast %get3A_504 : vector<16xf32> to vector<1x16xf32>
        tpu.vector_store %swap3A_508[%swap3A_509, %swap3A_510], %swap3A_513 {strides = array<i32>} : memref<200x64xf32, #tpu.memory_space<vmem>>, vector<1x16xf32>,
        %mul3A_514 = arith.constant 8 : i32
        %mul3A_515 = arith.muli %scan3A_155, %mul3A_514 : i32
        %add3A_516 = arith.constant 5 : i32
        %add3A_517 = arith.addi %mul3A_515, %add3A_516 : i32
        %get3A_518 = arith.constant 0 : i32
        %get3A_519 = arith.constant 0 : i32
        %get3A_520 = tpu.memref_slice %arg6[%scan3A_75, %get3A_518, %get3A_519] : memref<2x200x128xf32, #tpu.memory_space<vmem>> -> memref<1x200x128xf32, #tpu.memory_space<vmem>>
        %get3A_521 = tpu.memref_squeeze %get3A_520 : memref<1x200x128xf32, #tpu.memory_space<vmem>> -> memref<200x128xf32, #tpu.memory_space<vmem>>
        %get3A_522 = arith.index_cast %add3A_517 : i32 to index
        %get3A_523 = arith.constant 0 : index
        %get3A_524 = tpu.vector_load %get3A_521[%get3A_522, %get3A_523] {strides = array<i32>} : memref<200x128xf32, #tpu.memory_space<vmem>>, vector<1x16xf32>,
        %get3A_525 = vector.shape_cast %get3A_524 : vector<1x16xf32> to vector<16xf32>
        %swap3A_526 = arith.constant 0 : i32
        %swap3A_527 = arith.constant 0 : i32
        %swap3A_528 = tpu.memref_slice %arg7[%scan3A_76, %swap3A_526, %swap3A_527] : memref<2x200x64xf32, #tpu.memory_space<vmem>> -> memref<1x200x64xf32, #tpu.memory_space<vmem>>
        %swap3A_529 = tpu.memref_squeeze %swap3A_528 : memref<1x200x64xf32, #tpu.memory_space<vmem>> -> memref<200x64xf32, #tpu.memory_space<vmem>>
        %swap3A_530 = arith.index_cast %add3A_517 : i32 to index
        %swap3A_531 = arith.constant 0 : index
        %swap3A_532 = tpu.vector_load %swap3A_529[%swap3A_530, %swap3A_531] {strides = array<i32>} : memref<200x64xf32, #tpu.memory_space<vmem>>, vector<1x16xf32>,
        %swap3A_533 = vector.shape_cast %swap3A_532 : vector<1x16xf32> to vector<16xf32>
        %swap3A_534 = vector.shape_cast %get3A_525 : vector<16xf32> to vector<1x16xf32>
        tpu.vector_store %swap3A_529[%swap3A_530, %swap3A_531], %swap3A_534 {strides = array<i32>} : memref<200x64xf32, #tpu.memory_space<vmem>>, vector<1x16xf32>,
        %get3A_535 = arith.constant 0 : i32
        %get3A_536 = arith.constant 0 : i32
        %get3A_537 = tpu.memref_slice %arg6[%scan3A_75, %get3A_535, %get3A_536] : memref<2x200x128xf32, #tpu.memory_space<vmem>> -> memref<1x200x128xf32, #tpu.memory_space<vmem>>
        %get3A_538 = tpu.memref_squeeze %get3A_537 : memref<1x200x128xf32, #tpu.memory_space<vmem>> -> memref<200x128xf32, #tpu.memory_space<vmem>>
        %get3A_539 = arith.index_cast %add3A_517 : i32 to index
        %get3A_540 = arith.constant 16 : index
        %get3A_541 = tpu.vector_load %get3A_538[%get3A_539, %get3A_540] {strides = array<i32>} : memref<200x128xf32, #tpu.memory_space<vmem>>, vector<1x16xf32>,
        %get3A_542 = vector.shape_cast %get3A_541 : vector<1x16xf32> to vector<16xf32>
        %swap3A_543 = arith.constant 0 : i32
        %swap3A_544 = arith.constant 0 : i32
        %swap3A_545 = tpu.memref_slice %arg7[%scan3A_76, %swap3A_543, %swap3A_544] : memref<2x200x64xf32, #tpu.memory_space<vmem>> -> memref<1x200x64xf32, #tpu.memory_space<vmem>>
        %swap3A_546 = tpu.memref_squeeze %swap3A_545 : memref<1x200x64xf32, #tpu.memory_space<vmem>> -> memref<200x64xf32, #tpu.memory_space<vmem>>
        %swap3A_547 = arith.index_cast %add3A_517 : i32 to index
        %swap3A_548 = arith.constant 16 : index
        %swap3A_549 = tpu.vector_load %swap3A_546[%swap3A_547, %swap3A_548] {strides = array<i32>} : memref<200x64xf32, #tpu.memory_space<vmem>>, vector<1x16xf32>,
        %swap3A_550 = vector.shape_cast %swap3A_549 : vector<1x16xf32> to vector<16xf32>
        %swap3A_551 = vector.shape_cast %get3A_542 : vector<16xf32> to vector<1x16xf32>
        tpu.vector_store %swap3A_546[%swap3A_547, %swap3A_548], %swap3A_551 {strides = array<i32>} : memref<200x64xf32, #tpu.memory_space<vmem>>, vector<1x16xf32>,
        %get3A_552 = arith.constant 0 : i32
        %get3A_553 = arith.constant 0 : i32
        %get3A_554 = tpu.memref_slice %arg6[%scan3A_75, %get3A_552, %get3A_553] : memref<2x200x128xf32, #tpu.memory_space<vmem>> -> memref<1x200x128xf32, #tpu.memory_space<vmem>>
        %get3A_555 = tpu.memref_squeeze %get3A_554 : memref<1x200x128xf32, #tpu.memory_space<vmem>> -> memref<200x128xf32, #tpu.memory_space<vmem>>
        %get3A_556 = arith.index_cast %add3A_517 : i32 to index
        %get3A_557 = arith.constant 32 : index
        %get3A_558 = tpu.vector_load %get3A_555[%get3A_556, %get3A_557] {strides = array<i32>} : memref<200x128xf32, #tpu.memory_space<vmem>>, vector<1x16xf32>,
        %get3A_559 = vector.shape_cast %get3A_558 : vector<1x16xf32> to vector<16xf32>
        %swap3A_560 = arith.constant 0 : i32
        %swap3A_561 = arith.constant 0 : i32
        %swap3A_562 = tpu.memref_slice %arg7[%scan3A_76, %swap3A_560, %swap3A_561] : memref<2x200x64xf32, #tpu.memory_space<vmem>> -> memref<1x200x64xf32, #tpu.memory_space<vmem>>
        %swap3A_563 = tpu.memref_squeeze %swap3A_562 : memref<1x200x64xf32, #tpu.memory_space<vmem>> -> memref<200x64xf32, #tpu.memory_space<vmem>>
        %swap3A_564 = arith.index_cast %add3A_517 : i32 to index
        %swap3A_565 = arith.constant 32 : index
        %swap3A_566 = tpu.vector_load %swap3A_563[%swap3A_564, %swap3A_565] {strides = array<i32>} : memref<200x64xf32, #tpu.memory_space<vmem>>, vector<1x16xf32>,
        %swap3A_567 = vector.shape_cast %swap3A_566 : vector<1x16xf32> to vector<16xf32>
        %swap3A_568 = vector.shape_cast %get3A_559 : vector<16xf32> to vector<1x16xf32>
        tpu.vector_store %swap3A_563[%swap3A_564, %swap3A_565], %swap3A_568 {strides = array<i32>} : memref<200x64xf32, #tpu.memory_space<vmem>>, vector<1x16xf32>,
        %get3A_569 = arith.constant 0 : i32
        %get3A_570 = arith.constant 0 : i32
        %get3A_571 = tpu.memref_slice %arg6[%scan3A_75, %get3A_569, %get3A_570] : memref<2x200x128xf32, #tpu.memory_space<vmem>> -> memref<1x200x128xf32, #tpu.memory_space<vmem>>
        %get3A_572 = tpu.memref_squeeze %get3A_571 : memref<1x200x128xf32, #tpu.memory_space<vmem>> -> memref<200x128xf32, #tpu.memory_space<vmem>>
        %get3A_573 = arith.index_cast %add3A_517 : i32 to index
        %get3A_574 = arith.constant 48 : index
        %get3A_575 = tpu.vector_load %get3A_572[%get3A_573, %get3A_574] {strides = array<i32>} : memref<200x128xf32, #tpu.memory_space<vmem>>, vector<1x16xf32>,
        %get3A_576 = vector.shape_cast %get3A_575 : vector<1x16xf32> to vector<16xf32>
        %swap3A_577 = arith.constant 0 : i32
        %swap3A_578 = arith.constant 0 : i32
        %swap3A_579 = tpu.memref_slice %arg7[%scan3A_76, %swap3A_577, %swap3A_578] : memref<2x200x64xf32, #tpu.memory_space<vmem>> -> memref<1x200x64xf32, #tpu.memory_space<vmem>>
        %swap3A_580 = tpu.memref_squeeze %swap3A_579 : memref<1x200x64xf32, #tpu.memory_space<vmem>> -> memref<200x64xf32, #tpu.memory_space<vmem>>
        %swap3A_581 = arith.index_cast %add3A_517 : i32 to index
        %swap3A_582 = arith.constant 48 : index
        %swap3A_583 = tpu.vector_load %swap3A_580[%swap3A_581, %swap3A_582] {strides = array<i32>} : memref<200x64xf32, #tpu.memory_space<vmem>>, vector<1x16xf32>,
        %swap3A_584 = vector.shape_cast %swap3A_583 : vector<1x16xf32> to vector<16xf32>
        %swap3A_585 = vector.shape_cast %get3A_576 : vector<16xf32> to vector<1x16xf32>
        tpu.vector_store %swap3A_580[%swap3A_581, %swap3A_582], %swap3A_585 {strides = array<i32>} : memref<200x64xf32, #tpu.memory_space<vmem>>, vector<1x16xf32>,
        %mul3A_586 = arith.constant 8 : i32
        %mul3A_587 = arith.muli %scan3A_155, %mul3A_586 : i32
        %add3A_588 = arith.constant 6 : i32
        %add3A_589 = arith.addi %mul3A_587, %add3A_588 : i32
        %get3A_590 = arith.constant 0 : i32
        %get3A_591 = arith.constant 0 : i32
        %get3A_592 = tpu.memref_slice %arg6[%scan3A_75, %get3A_590, %get3A_591] : memref<2x200x128xf32, #tpu.memory_space<vmem>> -> memref<1x200x128xf32, #tpu.memory_space<vmem>>
        %get3A_593 = tpu.memref_squeeze %get3A_592 : memref<1x200x128xf32, #tpu.memory_space<vmem>> -> memref<200x128xf32, #tpu.memory_space<vmem>>
        %get3A_594 = arith.index_cast %add3A_589 : i32 to index
        %get3A_595 = arith.constant 0 : index
        %get3A_596 = tpu.vector_load %get3A_593[%get3A_594, %get3A_595] {strides = array<i32>} : memref<200x128xf32, #tpu.memory_space<vmem>>, vector<1x16xf32>,
        %get3A_597 = vector.shape_cast %get3A_596 : vector<1x16xf32> to vector<16xf32>
        %swap3A_598 = arith.constant 0 : i32
        %swap3A_599 = arith.constant 0 : i32
        %swap3A_600 = tpu.memref_slice %arg7[%scan3A_76, %swap3A_598, %swap3A_599] : memref<2x200x64xf32, #tpu.memory_space<vmem>> -> memref<1x200x64xf32, #tpu.memory_space<vmem>>
        %swap3A_601 = tpu.memref_squeeze %swap3A_600 : memref<1x200x64xf32, #tpu.memory_space<vmem>> -> memref<200x64xf32, #tpu.memory_space<vmem>>
        %swap3A_602 = arith.index_cast %add3A_589 : i32 to index
        %swap3A_603 = arith.constant 0 : index
        %swap3A_604 = tpu.vector_load %swap3A_601[%swap3A_602, %swap3A_603] {strides = array<i32>} : memref<200x64xf32, #tpu.memory_space<vmem>>, vector<1x16xf32>,
        %swap3A_605 = vector.shape_cast %swap3A_604 : vector<1x16xf32> to vector<16xf32>
        %swap3A_606 = vector.shape_cast %get3A_597 : vector<16xf32> to vector<1x16xf32>
        tpu.vector_store %swap3A_601[%swap3A_602, %swap3A_603], %swap3A_606 {strides = array<i32>} : memref<200x64xf32, #tpu.memory_space<vmem>>, vector<1x16xf32>,
        %get3A_607 = arith.constant 0 : i32
        %get3A_608 = arith.constant 0 : i32
        %get3A_609 = tpu.memref_slice %arg6[%scan3A_75, %get3A_607, %get3A_608] : memref<2x200x128xf32, #tpu.memory_space<vmem>> -> memref<1x200x128xf32, #tpu.memory_space<vmem>>
        %get3A_610 = tpu.memref_squeeze %get3A_609 : memref<1x200x128xf32, #tpu.memory_space<vmem>> -> memref<200x128xf32, #tpu.memory_space<vmem>>
        %get3A_611 = arith.index_cast %add3A_589 : i32 to index
        %get3A_612 = arith.constant 16 : index
        %get3A_613 = tpu.vector_load %get3A_610[%get3A_611, %get3A_612] {strides = array<i32>} : memref<200x128xf32, #tpu.memory_space<vmem>>, vector<1x16xf32>,
        %get3A_614 = vector.shape_cast %get3A_613 : vector<1x16xf32> to vector<16xf32>
        %swap3A_615 = arith.constant 0 : i32
        %swap3A_616 = arith.constant 0 : i32
        %swap3A_617 = tpu.memref_slice %arg7[%scan3A_76, %swap3A_615, %swap3A_616] : memref<2x200x64xf32, #tpu.memory_space<vmem>> -> memref<1x200x64xf32, #tpu.memory_space<vmem>>
        %swap3A_618 = tpu.memref_squeeze %swap3A_617 : memref<1x200x64xf32, #tpu.memory_space<vmem>> -> memref<200x64xf32, #tpu.memory_space<vmem>>
        %swap3A_619 = arith.index_cast %add3A_589 : i32 to index
        %swap3A_620 = arith.constant 16 : index
        %swap3A_621 = tpu.vector_load %swap3A_618[%swap3A_619, %swap3A_620] {strides = array<i32>} : memref<200x64xf32, #tpu.memory_space<vmem>>, vector<1x16xf32>,
        %swap3A_622 = vector.shape_cast %swap3A_621 : vector<1x16xf32> to vector<16xf32>
        %swap3A_623 = vector.shape_cast %get3A_614 : vector<16xf32> to vector<1x16xf32>
        tpu.vector_store %swap3A_618[%swap3A_619, %swap3A_620], %swap3A_623 {strides = array<i32>} : memref<200x64xf32, #tpu.memory_space<vmem>>, vector<1x16xf32>,
        %get3A_624 = arith.constant 0 : i32
        %get3A_625 = arith.constant 0 : i32
        %get3A_626 = tpu.memref_slice %arg6[%scan3A_75, %get3A_624, %get3A_625] : memref<2x200x128xf32, #tpu.memory_space<vmem>> -> memref<1x200x128xf32, #tpu.memory_space<vmem>>
        %get3A_627 = tpu.memref_squeeze %get3A_626 : memref<1x200x128xf32, #tpu.memory_space<vmem>> -> memref<200x128xf32, #tpu.memory_space<vmem>>
        %get3A_628 = arith.index_cast %add3A_589 : i32 to index
        %get3A_629 = arith.constant 32 : index
        %get3A_630 = tpu.vector_load %get3A_627[%get3A_628, %get3A_629] {strides = array<i32>} : memref<200x128xf32, #tpu.memory_space<vmem>>, vector<1x16xf32>,
        %get3A_631 = vector.shape_cast %get3A_630 : vector<1x16xf32> to vector<16xf32>
        %swap3A_632 = arith.constant 0 : i32
        %swap3A_633 = arith.constant 0 : i32
        %swap3A_634 = tpu.memref_slice %arg7[%scan3A_76, %swap3A_632, %swap3A_633] : memref<2x200x64xf32, #tpu.memory_space<vmem>> -> memref<1x200x64xf32, #tpu.memory_space<vmem>>
        %swap3A_635 = tpu.memref_squeeze %swap3A_634 : memref<1x200x64xf32, #tpu.memory_space<vmem>> -> memref<200x64xf32, #tpu.memory_space<vmem>>
        %swap3A_636 = arith.index_cast %add3A_589 : i32 to index
        %swap3A_637 = arith.constant 32 : index
        %swap3A_638 = tpu.vector_load %swap3A_635[%swap3A_636, %swap3A_637] {strides = array<i32>} : memref<200x64xf32, #tpu.memory_space<vmem>>, vector<1x16xf32>,
        %swap3A_639 = vector.shape_cast %swap3A_638 : vector<1x16xf32> to vector<16xf32>
        %swap3A_640 = vector.shape_cast %get3A_631 : vector<16xf32> to vector<1x16xf32>
        tpu.vector_store %swap3A_635[%swap3A_636, %swap3A_637], %swap3A_640 {strides = array<i32>} : memref<200x64xf32, #tpu.memory_space<vmem>>, vector<1x16xf32>,
        %get3A_641 = arith.constant 0 : i32
        %get3A_642 = arith.constant 0 : i32
        %get3A_643 = tpu.memref_slice %arg6[%scan3A_75, %get3A_641, %get3A_642] : memref<2x200x128xf32, #tpu.memory_space<vmem>> -> memref<1x200x128xf32, #tpu.memory_space<vmem>>
        %get3A_644 = tpu.memref_squeeze %get3A_643 : memref<1x200x128xf32, #tpu.memory_space<vmem>> -> memref<200x128xf32, #tpu.memory_space<vmem>>
        %get3A_645 = arith.index_cast %add3A_589 : i32 to index
        %get3A_646 = arith.constant 48 : index
        %get3A_647 = tpu.vector_load %get3A_644[%get3A_645, %get3A_646] {strides = array<i32>} : memref<200x128xf32, #tpu.memory_space<vmem>>, vector<1x16xf32>,
        %get3A_648 = vector.shape_cast %get3A_647 : vector<1x16xf32> to vector<16xf32>
        %swap3A_649 = arith.constant 0 : i32
        %swap3A_650 = arith.constant 0 : i32
        %swap3A_651 = tpu.memref_slice %arg7[%scan3A_76, %swap3A_649, %swap3A_650] : memref<2x200x64xf32, #tpu.memory_space<vmem>> -> memref<1x200x64xf32, #tpu.memory_space<vmem>>
        %swap3A_652 = tpu.memref_squeeze %swap3A_651 : memref<1x200x64xf32, #tpu.memory_space<vmem>> -> memref<200x64xf32, #tpu.memory_space<vmem>>
        %swap3A_653 = arith.index_cast %add3A_589 : i32 to index
        %swap3A_654 = arith.constant 48 : index
        %swap3A_655 = tpu.vector_load %swap3A_652[%swap3A_653, %swap3A_654] {strides = array<i32>} : memref<200x64xf32, #tpu.memory_space<vmem>>, vector<1x16xf32>,
        %swap3A_656 = vector.shape_cast %swap3A_655 : vector<1x16xf32> to vector<16xf32>
        %swap3A_657 = vector.shape_cast %get3A_648 : vector<16xf32> to vector<1x16xf32>
        tpu.vector_store %swap3A_652[%swap3A_653, %swap3A_654], %swap3A_657 {strides = array<i32>} : memref<200x64xf32, #tpu.memory_space<vmem>>, vector<1x16xf32>,
        %mul3A_658 = arith.constant 8 : i32
        %mul3A_659 = arith.muli %scan3A_155, %mul3A_658 : i32
        %add3A_660 = arith.constant 7 : i32
        %add3A_661 = arith.addi %mul3A_659, %add3A_660 : i32
        %get3A_662 = arith.constant 0 : i32
        %get3A_663 = arith.constant 0 : i32
        %get3A_664 = tpu.memref_slice %arg6[%scan3A_75, %get3A_662, %get3A_663] : memref<2x200x128xf32, #tpu.memory_space<vmem>> -> memref<1x200x128xf32, #tpu.memory_space<vmem>>
        %get3A_665 = tpu.memref_squeeze %get3A_664 : memref<1x200x128xf32, #tpu.memory_space<vmem>> -> memref<200x128xf32, #tpu.memory_space<vmem>>
        %get3A_666 = arith.index_cast %add3A_661 : i32 to index
        %get3A_667 = arith.constant 0 : index
        %get3A_668 = tpu.vector_load %get3A_665[%get3A_666, %get3A_667] {strides = array<i32>} : memref<200x128xf32, #tpu.memory_space<vmem>>, vector<1x16xf32>,
        %get3A_669 = vector.shape_cast %get3A_668 : vector<1x16xf32> to vector<16xf32>
        %swap3A_670 = arith.constant 0 : i32
        %swap3A_671 = arith.constant 0 : i32
        %swap3A_672 = tpu.memref_slice %arg7[%scan3A_76, %swap3A_670, %swap3A_671] : memref<2x200x64xf32, #tpu.memory_space<vmem>> -> memref<1x200x64xf32, #tpu.memory_space<vmem>>
        %swap3A_673 = tpu.memref_squeeze %swap3A_672 : memref<1x200x64xf32, #tpu.memory_space<vmem>> -> memref<200x64xf32, #tpu.memory_space<vmem>>
        %swap3A_674 = arith.index_cast %add3A_661 : i32 to index
        %swap3A_675 = arith.constant 0 : index
        %swap3A_676 = tpu.vector_load %swap3A_673[%swap3A_674, %swap3A_675] {strides = array<i32>} : memref<200x64xf32, #tpu.memory_space<vmem>>, vector<1x16xf32>,
        %swap3A_677 = vector.shape_cast %swap3A_676 : vector<1x16xf32> to vector<16xf32>
        %swap3A_678 = vector.shape_cast %get3A_669 : vector<16xf32> to vector<1x16xf32>
        tpu.vector_store %swap3A_673[%swap3A_674, %swap3A_675], %swap3A_678 {strides = array<i32>} : memref<200x64xf32, #tpu.memory_space<vmem>>, vector<1x16xf32>,
        %get3A_679 = arith.constant 0 : i32
        %get3A_680 = arith.constant 0 : i32
        %get3A_681 = tpu.memref_slice %arg6[%scan3A_75, %get3A_679, %get3A_680] : memref<2x200x128xf32, #tpu.memory_space<vmem>> -> memref<1x200x128xf32, #tpu.memory_space<vmem>>
        %get3A_682 = tpu.memref_squeeze %get3A_681 : memref<1x200x128xf32, #tpu.memory_space<vmem>> -> memref<200x128xf32, #tpu.memory_space<vmem>>
        %get3A_683 = arith.index_cast %add3A_661 : i32 to index
        %get3A_684 = arith.constant 16 : index
        %get3A_685 = tpu.vector_load %get3A_682[%get3A_683, %get3A_684] {strides = array<i32>} : memref<200x128xf32, #tpu.memory_space<vmem>>, vector<1x16xf32>,
        %get3A_686 = vector.shape_cast %get3A_685 : vector<1x16xf32> to vector<16xf32>
        %swap3A_687 = arith.constant 0 : i32
        %swap3A_688 = arith.constant 0 : i32
        %swap3A_689 = tpu.memref_slice %arg7[%scan3A_76, %swap3A_687, %swap3A_688] : memref<2x200x64xf32, #tpu.memory_space<vmem>> -> memref<1x200x64xf32, #tpu.memory_space<vmem>>
        %swap3A_690 = tpu.memref_squeeze %swap3A_689 : memref<1x200x64xf32, #tpu.memory_space<vmem>> -> memref<200x64xf32, #tpu.memory_space<vmem>>
        %swap3A_691 = arith.index_cast %add3A_661 : i32 to index
        %swap3A_692 = arith.constant 16 : index
        %swap3A_693 = tpu.vector_load %swap3A_690[%swap3A_691, %swap3A_692] {strides = array<i32>} : memref<200x64xf32, #tpu.memory_space<vmem>>, vector<1x16xf32>,
        %swap3A_694 = vector.shape_cast %swap3A_693 : vector<1x16xf32> to vector<16xf32>
        %swap3A_695 = vector.shape_cast %get3A_686 : vector<16xf32> to vector<1x16xf32>
        tpu.vector_store %swap3A_690[%swap3A_691, %swap3A_692], %swap3A_695 {strides = array<i32>} : memref<200x64xf32, #tpu.memory_space<vmem>>, vector<1x16xf32>,
        %get3A_696 = arith.constant 0 : i32
        %get3A_697 = arith.constant 0 : i32
        %get3A_698 = tpu.memref_slice %arg6[%scan3A_75, %get3A_696, %get3A_697] : memref<2x200x128xf32, #tpu.memory_space<vmem>> -> memref<1x200x128xf32, #tpu.memory_space<vmem>>
        %get3A_699 = tpu.memref_squeeze %get3A_698 : memref<1x200x128xf32, #tpu.memory_space<vmem>> -> memref<200x128xf32, #tpu.memory_space<vmem>>
        %get3A_700 = arith.index_cast %add3A_661 : i32 to index
        %get3A_701 = arith.constant 32 : index
        %get3A_702 = tpu.vector_load %get3A_699[%get3A_700, %get3A_701] {strides = array<i32>} : memref<200x128xf32, #tpu.memory_space<vmem>>, vector<1x16xf32>,
        %get3A_703 = vector.shape_cast %get3A_702 : vector<1x16xf32> to vector<16xf32>
        %swap3A_704 = arith.constant 0 : i32
        %swap3A_705 = arith.constant 0 : i32
        %swap3A_706 = tpu.memref_slice %arg7[%scan3A_76, %swap3A_704, %swap3A_705] : memref<2x200x64xf32, #tpu.memory_space<vmem>> -> memref<1x200x64xf32, #tpu.memory_space<vmem>>
        %swap3A_707 = tpu.memref_squeeze %swap3A_706 : memref<1x200x64xf32, #tpu.memory_space<vmem>> -> memref<200x64xf32, #tpu.memory_space<vmem>>
        %swap3A_708 = arith.index_cast %add3A_661 : i32 to index
        %swap3A_709 = arith.constant 32 : index
        %swap3A_710 = tpu.vector_load %swap3A_707[%swap3A_708, %swap3A_709] {strides = array<i32>} : memref<200x64xf32, #tpu.memory_space<vmem>>, vector<1x16xf32>,
        %swap3A_711 = vector.shape_cast %swap3A_710 : vector<1x16xf32> to vector<16xf32>
        %swap3A_712 = vector.shape_cast %get3A_703 : vector<16xf32> to vector<1x16xf32>
        tpu.vector_store %swap3A_707[%swap3A_708, %swap3A_709], %swap3A_712 {strides = array<i32>} : memref<200x64xf32, #tpu.memory_space<vmem>>, vector<1x16xf32>,
        %get3A_713 = arith.constant 0 : i32
        %get3A_714 = arith.constant 0 : i32
        %get3A_715 = tpu.memref_slice %arg6[%scan3A_75, %get3A_713, %get3A_714] : memref<2x200x128xf32, #tpu.memory_space<vmem>> -> memref<1x200x128xf32, #tpu.memory_space<vmem>>
        %get3A_716 = tpu.memref_squeeze %get3A_715 : memref<1x200x128xf32, #tpu.memory_space<vmem>> -> memref<200x128xf32, #tpu.memory_space<vmem>>
        %get3A_717 = arith.index_cast %add3A_661 : i32 to index
        %get3A_718 = arith.constant 48 : index
        %get3A_719 = tpu.vector_load %get3A_716[%get3A_717, %get3A_718] {strides = array<i32>} : memref<200x128xf32, #tpu.memory_space<vmem>>, vector<1x16xf32>,
        %get3A_720 = vector.shape_cast %get3A_719 : vector<1x16xf32> to vector<16xf32>
        %swap3A_721 = arith.constant 0 : i32
        %swap3A_722 = arith.constant 0 : i32
        %swap3A_723 = tpu.memref_slice %arg7[%scan3A_76, %swap3A_721, %swap3A_722] : memref<2x200x64xf32, #tpu.memory_space<vmem>> -> memref<1x200x64xf32, #tpu.memory_space<vmem>>
        %swap3A_724 = tpu.memref_squeeze %swap3A_723 : memref<1x200x64xf32, #tpu.memory_space<vmem>> -> memref<200x64xf32, #tpu.memory_space<vmem>>
        %swap3A_725 = arith.index_cast %add3A_661 : i32 to index
        %swap3A_726 = arith.constant 48 : index
        %swap3A_727 = tpu.vector_load %swap3A_724[%swap3A_725, %swap3A_726] {strides = array<i32>} : memref<200x64xf32, #tpu.memory_space<vmem>>, vector<1x16xf32>,
        %swap3A_728 = vector.shape_cast %swap3A_727 : vector<1x16xf32> to vector<16xf32>
        %swap3A_729 = vector.shape_cast %get3A_720 : vector<16xf32> to vector<1x16xf32>
        tpu.vector_store %swap3A_724[%swap3A_725, %swap3A_726], %swap3A_729 {strides = array<i32>} : memref<200x64xf32, #tpu.memory_space<vmem>>, vector<1x16xf32>,
      }
      %scan3A_81 = arith.constant 25 : i32
      %lt3A = arith.constant 63 : i32
      %lt3A_82 = arith.cmpi slt, %scan3A_52, %lt3A : i32
      %convert_element_type3A_83 = arith.extui %lt3A_82 : i1 to i32
      %cond3A_84 = arith.constant 0 : i32
      %cond3A_85 = arith.cmpi ne, %convert_element_type3A_83, %cond3A_84 : i32
      scf.if %cond3A_85 {
        %add3A_155 = arith.constant 2 : i32
        %add3A_156 = arith.addi %add3A_56, %add3A_155 : i32
        %mul3A_157 = arith.constant 200 : i32
        %mul3A_158 = arith.muli %add3A_156, %mul3A_157 : i32
        %dma_start3A_159 = arith.constant 0 : i32
        %dma_start3A_160 = arith.constant 0 : i32
        %dma_start3A_161 = arith.constant 0 : i32
        %dma_start3A_162 = tpu.memref_slice %arg6[%dma_start3A_159, %dma_start3A_160, %dma_start3A_161] : memref<2x200x128xf32, #tpu.memory_space<vmem>> -> memref<1x200x128xf32, #tpu.memory_space<vmem>>
        %dma_start3A_163 = tpu.memref_squeeze %dma_start3A_162 : memref<1x200x128xf32, #tpu.memory_space<vmem>> -> memref<200x128xf32, #tpu.memory_space<vmem>>
        %dma_start3A_164 = tpu.memref_slice %arg5[%mul3A_158] : memref<25600xi32, #tpu.memory_space<vmem>> -> memref<200xi32, #tpu.memory_space<vmem>>
        %dma_start3A_165 = arith.constant 0 : i32
        %dma_start3A_166 = arith.constant 0 : i32
        %dma_start3A_167 = tpu.memref_slice %arg3[%dma_start3A_165, %dma_start3A_166] : memref<1000000x128xf32, #tpu.memory_space<hbm>> -> memref<1000000x128xf32, #tpu.memory_space<hbm>>
        tpu.enqueue_indirect_dma source(%dma_start3A_167 : memref<1000000x128xf32, #tpu.memory_space<hbm>>) target(%dma_start3A_163 : memref<200x128xf32, #tpu.memory_space<vmem>>) offsets(%dma_start3A_164 : memref<200xi32, #tpu.memory_space<vmem>>) semaphore(%arg8 : memref<!tpu.dma_semaphore, #tpu.memory_space<semaphore_mem>>)
      } else {
      }
      %mul3A_86 = arith.constant 200 : i32
      %mul3A_87 = arith.muli %add3A_56, %mul3A_86 : i32
      %add3A_88 = arith.addi %mul3A_2, %mul3A_87 : i32
      %dma_start3A_89 = arith.constant 0 : i32
      %dma_start3A_90 = arith.constant 0 : i32
      %dma_start3A_91 = arith.constant 0 : i32
      %dma_start3A_92 = tpu.memref_slice %arg7[%dma_start3A_89, %dma_start3A_90, %dma_start3A_91] : memref<2x200x64xf32, #tpu.memory_space<vmem>> -> memref<1x200x64xf32, #tpu.memory_space<vmem>>
      %dma_start3A_93 = tpu.memref_squeeze %dma_start3A_92 : memref<1x200x64xf32, #tpu.memory_space<vmem>> -> memref<200x64xf32, #tpu.memory_space<vmem>>
      %dma_start3A_94 = arith.constant 0 : i32
      %dma_start3A_95 = tpu.memref_slice %arg4[%add3A_88, %dma_start3A_94] : memref<819200x64xf32, #tpu.memory_space<hbm>> -> memref<200x64xf32, #tpu.memory_space<hbm>>
      %dma_start3A_96 = arith.constant 0 : i32
      %dma_start3A_97 = tpu.memref_slice %arg4[%add3A_88, %dma_start3A_96] : memref<819200x64xf32, #tpu.memory_space<hbm>> -> memref<200x64xf32, #tpu.memory_space<hbm>>
      %dma_start3A_98 = arith.constant 0 : i32
      %dma_start3A_99 = arith.constant 0 : i32
      %dma_start3A_100 = tpu.memref_slice %arg7[%dma_start3A_89, %dma_start3A_98, %dma_start3A_99] : memref<2x200x64xf32, #tpu.memory_space<vmem>> -> memref<1x200x64xf32, #tpu.memory_space<vmem>>
      %dma_start3A_101 = tpu.memref_squeeze %dma_start3A_100 : memref<1x200x64xf32, #tpu.memory_space<vmem>> -> memref<200x64xf32, #tpu.memory_space<vmem>>
      tpu.enqueue_dma source(%dma_start3A_101 : memref<200x64xf32, #tpu.memory_space<vmem>>) target(%dma_start3A_97 : memref<200x64xf32, #tpu.memory_space<hbm>>) target_semaphore(%arg10 : memref<!tpu.dma_semaphore, #tpu.memory_space<semaphore_mem>>)
      %mul3A_102 = arith.constant 2 : i32
      %mul3A_103 = arith.muli %mul3A_102, %scan3A_52 : i32
      %add3A_104 = arith.constant 1 : i32
      %add3A_105 = arith.addi %mul3A_103, %add3A_104 : i32
      %dma_wait3A_106 = arith.constant 1 : i32
      %dma_wait3A_107 = arith.constant 0 : i32
      %dma_wait3A_108 = arith.constant 0 : i32
      %dma_wait3A_109 = tpu.memref_slice %arg6[%dma_wait3A_106, %dma_wait3A_107, %dma_wait3A_108] : memref<2x200x128xf32, #tpu.memory_space<vmem>> -> memref<1x200x128xf32, #tpu.memory_space<vmem>>
      %dma_wait3A_110 = tpu.memref_squeeze %dma_wait3A_109 : memref<1x200x128xf32, #tpu.memory_space<vmem>> -> memref<200x128xf32, #tpu.memory_space<vmem>>
      %dma_wait3A_111 = arith.constant 0 : i32
      %dma_wait3A_112 = arith.constant 0 : i32
      %dma_wait3A_113 = tpu.memref_slice %arg3[%dma_wait3A_111, %dma_wait3A_112] : memref<1000000x128xf32, #tpu.memory_space<hbm>> -> memref<200x128xf32, #tpu.memory_space<hbm>>
      %dma_wait3A_114 = arith.constant 0 : i32
      %dma_wait3A_115 = arith.constant 0 : i32
      %dma_wait3A_116 = tpu.memref_slice %arg6[%dma_wait3A_106, %dma_wait3A_114, %dma_wait3A_115] : memref<2x200x128xf32, #tpu.memory_space<vmem>> -> memref<1x200x128xf32, #tpu.memory_space<vmem>>
      %dma_wait3A_117 = tpu.memref_squeeze %dma_wait3A_116 : memref<1x200x128xf32, #tpu.memory_space<vmem>> -> memref<200x128xf32, #tpu.memory_space<vmem>>
      %dma_wait3A_118 = arith.constant 0 : i32
      %dma_wait3A_119 = arith.constant 0 : i32
      %dma_wait3A_120 = tpu.memref_slice %arg3[%dma_wait3A_118, %dma_wait3A_119] : memref<1000000x128xf32, #tpu.memory_space<hbm>> -> memref<200x128xf32, #tpu.memory_space<hbm>>
      tpu.wait_dma2 semaphore(%arg9 : memref<!tpu.dma_semaphore, #tpu.memory_space<semaphore_mem>>) src(%dma_wait3A_120 : memref<200x128xf32, #tpu.memory_space<hbm>>) dst(%dma_wait3A_117 : memref<200x128xf32, #tpu.memory_space<vmem>>)
      %gt3A_121 = arith.constant 0 : i32
      %gt3A_122 = arith.cmpi sgt, %scan3A_52, %gt3A_121 : i32
      %convert_element_type3A_123 = arith.extui %gt3A_122 : i1 to i32
      %cond3A_124 = arith.constant 0 : i32
      %cond3A_125 = arith.cmpi ne, %convert_element_type3A_123, %cond3A_124 : i32
      scf.if %cond3A_125 {
        %dma_wait3A_155 = arith.constant 1 : i32
        %dma_wait3A_156 = arith.constant 0 : i32
        %dma_wait3A_157 = arith.constant 0 : i32
        %dma_wait3A_158 = tpu.memref_slice %arg7[%dma_wait3A_155, %dma_wait3A_156, %dma_wait3A_157] : memref<2x200x64xf32, #tpu.memory_space<vmem>> -> memref<1x200x64xf32, #tpu.memory_space<vmem>>
        %dma_wait3A_159 = tpu.memref_squeeze %dma_wait3A_158 : memref<1x200x64xf32, #tpu.memory_space<vmem>> -> memref<200x64xf32, #tpu.memory_space<vmem>>
        %dma_wait3A_160 = arith.constant 0 : i32
        %dma_wait3A_161 = tpu.memref_slice %arg4[%mul3A_2, %dma_wait3A_160] : memref<819200x64xf32, #tpu.memory_space<hbm>> -> memref<200x64xf32, #tpu.memory_space<hbm>>
        %dma_wait3A_162 = arith.constant 0 : i32
        %dma_wait3A_163 = tpu.memref_slice %arg4[%mul3A_2, %dma_wait3A_162] : memref<819200x64xf32, #tpu.memory_space<hbm>> -> memref<200x64xf32, #tpu.memory_space<hbm>>
        %dma_wait3A_164 = arith.constant 0 : i32
        %dma_wait3A_165 = arith.constant 0 : i32
        %dma_wait3A_166 = tpu.memref_slice %arg7[%dma_wait3A_155, %dma_wait3A_164, %dma_wait3A_165] : memref<2x200x64xf32, #tpu.memory_space<vmem>> -> memref<1x200x64xf32, #tpu.memory_space<vmem>>
        %dma_wait3A_167 = tpu.memref_squeeze %dma_wait3A_166 : memref<1x200x64xf32, #tpu.memory_space<vmem>> -> memref<200x64xf32, #tpu.memory_space<vmem>>
        tpu.wait_dma2 semaphore(%arg11 : memref<!tpu.dma_semaphore, #tpu.memory_space<semaphore_mem>>) src(%dma_wait3A_167 : memref<200x64xf32, #tpu.memory_space<vmem>>) dst(%dma_wait3A_163 : memref<200x64xf32, #tpu.memory_space<hbm>>)
      } else {
      }
      %scan3A_126 = arith.constant 0 : i32
      %scan3A_127 = arith.constant 1 : i32
      %scan3A_128 = arith.constant 1 : i32
      %scan3A_129 = arith.constant 0 : i32
      %scan3A_130 = arith.constant 25 : i32
      %scan3A_131 = arith.addi %scan3A_129, %scan3A_130 : i32
      %scan3A_132 = arith.constant 1 : i32
      scf.for %scan3A_155 = %scan3A_129 to %scan3A_131 step %scan3A_132  : i32 {
        %mul3A_156 = arith.constant 8 : i32
        %mul3A_157 = arith.muli %scan3A_155, %mul3A_156 : i32
        %add3A_158 = arith.constant 0 : i32
        %add3A_159 = arith.addi %mul3A_157, %add3A_158 : i32
        %get3A = arith.constant 0 : i32
        %get3A_160 = arith.constant 0 : i32
        %get3A_161 = tpu.memref_slice %arg6[%scan3A_127, %get3A, %get3A_160] : memref<2x200x128xf32, #tpu.memory_space<vmem>> -> memref<1x200x128xf32, #tpu.memory_space<vmem>>
        %get3A_162 = tpu.memref_squeeze %get3A_161 : memref<1x200x128xf32, #tpu.memory_space<vmem>> -> memref<200x128xf32, #tpu.memory_space<vmem>>
        %get3A_163 = arith.index_cast %add3A_159 : i32 to index
        %get3A_164 = arith.constant 0 : index
        %get3A_165 = tpu.vector_load %get3A_162[%get3A_163, %get3A_164] {strides = array<i32>} : memref<200x128xf32, #tpu.memory_space<vmem>>, vector<1x16xf32>,
        %get3A_166 = vector.shape_cast %get3A_165 : vector<1x16xf32> to vector<16xf32>
        %swap3A = arith.constant 0 : i32
        %swap3A_167 = arith.constant 0 : i32
        %swap3A_168 = tpu.memref_slice %arg7[%scan3A_128, %swap3A, %swap3A_167] : memref<2x200x64xf32, #tpu.memory_space<vmem>> -> memref<1x200x64xf32, #tpu.memory_space<vmem>>
        %swap3A_169 = tpu.memref_squeeze %swap3A_168 : memref<1x200x64xf32, #tpu.memory_space<vmem>> -> memref<200x64xf32, #tpu.memory_space<vmem>>
        %swap3A_170 = arith.index_cast %add3A_159 : i32 to index
        %swap3A_171 = arith.constant 0 : index
        %swap3A_172 = tpu.vector_load %swap3A_169[%swap3A_170, %swap3A_171] {strides = array<i32>} : memref<200x64xf32, #tpu.memory_space<vmem>>, vector<1x16xf32>,
        %swap3A_173 = vector.shape_cast %swap3A_172 : vector<1x16xf32> to vector<16xf32>
        %swap3A_174 = vector.shape_cast %get3A_166 : vector<16xf32> to vector<1x16xf32>
        tpu.vector_store %swap3A_169[%swap3A_170, %swap3A_171], %swap3A_174 {strides = array<i32>} : memref<200x64xf32, #tpu.memory_space<vmem>>, vector<1x16xf32>,
        %get3A_175 = arith.constant 0 : i32
        %get3A_176 = arith.constant 0 : i32
        %get3A_177 = tpu.memref_slice %arg6[%scan3A_127, %get3A_175, %get3A_176] : memref<2x200x128xf32, #tpu.memory_space<vmem>> -> memref<1x200x128xf32, #tpu.memory_space<vmem>>
        %get3A_178 = tpu.memref_squeeze %get3A_177 : memref<1x200x128xf32, #tpu.memory_space<vmem>> -> memref<200x128xf32, #tpu.memory_space<vmem>>
        %get3A_179 = arith.index_cast %add3A_159 : i32 to index
        %get3A_180 = arith.constant 16 : index
        %get3A_181 = tpu.vector_load %get3A_178[%get3A_179, %get3A_180] {strides = array<i32>} : memref<200x128xf32, #tpu.memory_space<vmem>>, vector<1x16xf32>,
        %get3A_182 = vector.shape_cast %get3A_181 : vector<1x16xf32> to vector<16xf32>
        %swap3A_183 = arith.constant 0 : i32
        %swap3A_184 = arith.constant 0 : i32
        %swap3A_185 = tpu.memref_slice %arg7[%scan3A_128, %swap3A_183, %swap3A_184] : memref<2x200x64xf32, #tpu.memory_space<vmem>> -> memref<1x200x64xf32, #tpu.memory_space<vmem>>
        %swap3A_186 = tpu.memref_squeeze %swap3A_185 : memref<1x200x64xf32, #tpu.memory_space<vmem>> -> memref<200x64xf32, #tpu.memory_space<vmem>>
        %swap3A_187 = arith.index_cast %add3A_159 : i32 to index
        %swap3A_188 = arith.constant 16 : index
        %swap3A_189 = tpu.vector_load %swap3A_186[%swap3A_187, %swap3A_188] {strides = array<i32>} : memref<200x64xf32, #tpu.memory_space<vmem>>, vector<1x16xf32>,
        %swap3A_190 = vector.shape_cast %swap3A_189 : vector<1x16xf32> to vector<16xf32>
        %swap3A_191 = vector.shape_cast %get3A_182 : vector<16xf32> to vector<1x16xf32>
        tpu.vector_store %swap3A_186[%swap3A_187, %swap3A_188], %swap3A_191 {strides = array<i32>} : memref<200x64xf32, #tpu.memory_space<vmem>>, vector<1x16xf32>,
        %get3A_192 = arith.constant 0 : i32
        %get3A_193 = arith.constant 0 : i32
        %get3A_194 = tpu.memref_slice %arg6[%scan3A_127, %get3A_192, %get3A_193] : memref<2x200x128xf32, #tpu.memory_space<vmem>> -> memref<1x200x128xf32, #tpu.memory_space<vmem>>
        %get3A_195 = tpu.memref_squeeze %get3A_194 : memref<1x200x128xf32, #tpu.memory_space<vmem>> -> memref<200x128xf32, #tpu.memory_space<vmem>>
        %get3A_196 = arith.index_cast %add3A_159 : i32 to index
        %get3A_197 = arith.constant 32 : index
        %get3A_198 = tpu.vector_load %get3A_195[%get3A_196, %get3A_197] {strides = array<i32>} : memref<200x128xf32, #tpu.memory_space<vmem>>, vector<1x16xf32>,
        %get3A_199 = vector.shape_cast %get3A_198 : vector<1x16xf32> to vector<16xf32>
        %swap3A_200 = arith.constant 0 : i32
        %swap3A_201 = arith.constant 0 : i32
        %swap3A_202 = tpu.memref_slice %arg7[%scan3A_128, %swap3A_200, %swap3A_201] : memref<2x200x64xf32, #tpu.memory_space<vmem>> -> memref<1x200x64xf32, #tpu.memory_space<vmem>>
        %swap3A_203 = tpu.memref_squeeze %swap3A_202 : memref<1x200x64xf32, #tpu.memory_space<vmem>> -> memref<200x64xf32, #tpu.memory_space<vmem>>
        %swap3A_204 = arith.index_cast %add3A_159 : i32 to index
        %swap3A_205 = arith.constant 32 : index
        %swap3A_206 = tpu.vector_load %swap3A_203[%swap3A_204, %swap3A_205] {strides = array<i32>} : memref<200x64xf32, #tpu.memory_space<vmem>>, vector<1x16xf32>,
        %swap3A_207 = vector.shape_cast %swap3A_206 : vector<1x16xf32> to vector<16xf32>
        %swap3A_208 = vector.shape_cast %get3A_199 : vector<16xf32> to vector<1x16xf32>
        tpu.vector_store %swap3A_203[%swap3A_204, %swap3A_205], %swap3A_208 {strides = array<i32>} : memref<200x64xf32, #tpu.memory_space<vmem>>, vector<1x16xf32>,
        %get3A_209 = arith.constant 0 : i32
        %get3A_210 = arith.constant 0 : i32
        %get3A_211 = tpu.memref_slice %arg6[%scan3A_127, %get3A_209, %get3A_210] : memref<2x200x128xf32, #tpu.memory_space<vmem>> -> memref<1x200x128xf32, #tpu.memory_space<vmem>>
        %get3A_212 = tpu.memref_squeeze %get3A_211 : memref<1x200x128xf32, #tpu.memory_space<vmem>> -> memref<200x128xf32, #tpu.memory_space<vmem>>
        %get3A_213 = arith.index_cast %add3A_159 : i32 to index
        %get3A_214 = arith.constant 48 : index
        %get3A_215 = tpu.vector_load %get3A_212[%get3A_213, %get3A_214] {strides = array<i32>} : memref<200x128xf32, #tpu.memory_space<vmem>>, vector<1x16xf32>,
        %get3A_216 = vector.shape_cast %get3A_215 : vector<1x16xf32> to vector<16xf32>
        %swap3A_217 = arith.constant 0 : i32
        %swap3A_218 = arith.constant 0 : i32
        %swap3A_219 = tpu.memref_slice %arg7[%scan3A_128, %swap3A_217, %swap3A_218] : memref<2x200x64xf32, #tpu.memory_space<vmem>> -> memref<1x200x64xf32, #tpu.memory_space<vmem>>
        %swap3A_220 = tpu.memref_squeeze %swap3A_219 : memref<1x200x64xf32, #tpu.memory_space<vmem>> -> memref<200x64xf32, #tpu.memory_space<vmem>>
        %swap3A_221 = arith.index_cast %add3A_159 : i32 to index
        %swap3A_222 = arith.constant 48 : index
        %swap3A_223 = tpu.vector_load %swap3A_220[%swap3A_221, %swap3A_222] {strides = array<i32>} : memref<200x64xf32, #tpu.memory_space<vmem>>, vector<1x16xf32>,
        %swap3A_224 = vector.shape_cast %swap3A_223 : vector<1x16xf32> to vector<16xf32>
        %swap3A_225 = vector.shape_cast %get3A_216 : vector<16xf32> to vector<1x16xf32>
        tpu.vector_store %swap3A_220[%swap3A_221, %swap3A_222], %swap3A_225 {strides = array<i32>} : memref<200x64xf32, #tpu.memory_space<vmem>>, vector<1x16xf32>,
        %mul3A_226 = arith.constant 8 : i32
        %mul3A_227 = arith.muli %scan3A_155, %mul3A_226 : i32
        %add3A_228 = arith.constant 1 : i32
        %add3A_229 = arith.addi %mul3A_227, %add3A_228 : i32
        %get3A_230 = arith.constant 0 : i32
        %get3A_231 = arith.constant 0 : i32
        %get3A_232 = tpu.memref_slice %arg6[%scan3A_127, %get3A_230, %get3A_231] : memref<2x200x128xf32, #tpu.memory_space<vmem>> -> memref<1x200x128xf32, #tpu.memory_space<vmem>>
        %get3A_233 = tpu.memref_squeeze %get3A_232 : memref<1x200x128xf32, #tpu.memory_space<vmem>> -> memref<200x128xf32, #tpu.memory_space<vmem>>
        %get3A_234 = arith.index_cast %add3A_229 : i32 to index
        %get3A_235 = arith.constant 0 : index
        %get3A_236 = tpu.vector_load %get3A_233[%get3A_234, %get3A_235] {strides = array<i32>} : memref<200x128xf32, #tpu.memory_space<vmem>>, vector<1x16xf32>,
        %get3A_237 = vector.shape_cast %get3A_236 : vector<1x16xf32> to vector<16xf32>
        %swap3A_238 = arith.constant 0 : i32
        %swap3A_239 = arith.constant 0 : i32
        %swap3A_240 = tpu.memref_slice %arg7[%scan3A_128, %swap3A_238, %swap3A_239] : memref<2x200x64xf32, #tpu.memory_space<vmem>> -> memref<1x200x64xf32, #tpu.memory_space<vmem>>
        %swap3A_241 = tpu.memref_squeeze %swap3A_240 : memref<1x200x64xf32, #tpu.memory_space<vmem>> -> memref<200x64xf32, #tpu.memory_space<vmem>>
        %swap3A_242 = arith.index_cast %add3A_229 : i32 to index
        %swap3A_243 = arith.constant 0 : index
        %swap3A_244 = tpu.vector_load %swap3A_241[%swap3A_242, %swap3A_243] {strides = array<i32>} : memref<200x64xf32, #tpu.memory_space<vmem>>, vector<1x16xf32>,
        %swap3A_245 = vector.shape_cast %swap3A_244 : vector<1x16xf32> to vector<16xf32>
        %swap3A_246 = vector.shape_cast %get3A_237 : vector<16xf32> to vector<1x16xf32>
        tpu.vector_store %swap3A_241[%swap3A_242, %swap3A_243], %swap3A_246 {strides = array<i32>} : memref<200x64xf32, #tpu.memory_space<vmem>>, vector<1x16xf32>,
        %get3A_247 = arith.constant 0 : i32
        %get3A_248 = arith.constant 0 : i32
        %get3A_249 = tpu.memref_slice %arg6[%scan3A_127, %get3A_247, %get3A_248] : memref<2x200x128xf32, #tpu.memory_space<vmem>> -> memref<1x200x128xf32, #tpu.memory_space<vmem>>
        %get3A_250 = tpu.memref_squeeze %get3A_249 : memref<1x200x128xf32, #tpu.memory_space<vmem>> -> memref<200x128xf32, #tpu.memory_space<vmem>>
        %get3A_251 = arith.index_cast %add3A_229 : i32 to index
        %get3A_252 = arith.constant 16 : index
        %get3A_253 = tpu.vector_load %get3A_250[%get3A_251, %get3A_252] {strides = array<i32>} : memref<200x128xf32, #tpu.memory_space<vmem>>, vector<1x16xf32>,
        %get3A_254 = vector.shape_cast %get3A_253 : vector<1x16xf32> to vector<16xf32>
        %swap3A_255 = arith.constant 0 : i32
        %swap3A_256 = arith.constant 0 : i32
        %swap3A_257 = tpu.memref_slice %arg7[%scan3A_128, %swap3A_255, %swap3A_256] : memref<2x200x64xf32, #tpu.memory_space<vmem>> -> memref<1x200x64xf32, #tpu.memory_space<vmem>>
        %swap3A_258 = tpu.memref_squeeze %swap3A_257 : memref<1x200x64xf32, #tpu.memory_space<vmem>> -> memref<200x64xf32, #tpu.memory_space<vmem>>
        %swap3A_259 = arith.index_cast %add3A_229 : i32 to index
        %swap3A_260 = arith.constant 16 : index
        %swap3A_261 = tpu.vector_load %swap3A_258[%swap3A_259, %swap3A_260] {strides = array<i32>} : memref<200x64xf32, #tpu.memory_space<vmem>>, vector<1x16xf32>,
        %swap3A_262 = vector.shape_cast %swap3A_261 : vector<1x16xf32> to vector<16xf32>
        %swap3A_263 = vector.shape_cast %get3A_254 : vector<16xf32> to vector<1x16xf32>
        tpu.vector_store %swap3A_258[%swap3A_259, %swap3A_260], %swap3A_263 {strides = array<i32>} : memref<200x64xf32, #tpu.memory_space<vmem>>, vector<1x16xf32>,
        %get3A_264 = arith.constant 0 : i32
        %get3A_265 = arith.constant 0 : i32
        %get3A_266 = tpu.memref_slice %arg6[%scan3A_127, %get3A_264, %get3A_265] : memref<2x200x128xf32, #tpu.memory_space<vmem>> -> memref<1x200x128xf32, #tpu.memory_space<vmem>>
        %get3A_267 = tpu.memref_squeeze %get3A_266 : memref<1x200x128xf32, #tpu.memory_space<vmem>> -> memref<200x128xf32, #tpu.memory_space<vmem>>
        %get3A_268 = arith.index_cast %add3A_229 : i32 to index
        %get3A_269 = arith.constant 32 : index
        %get3A_270 = tpu.vector_load %get3A_267[%get3A_268, %get3A_269] {strides = array<i32>} : memref<200x128xf32, #tpu.memory_space<vmem>>, vector<1x16xf32>,
        %get3A_271 = vector.shape_cast %get3A_270 : vector<1x16xf32> to vector<16xf32>
        %swap3A_272 = arith.constant 0 : i32
        %swap3A_273 = arith.constant 0 : i32
        %swap3A_274 = tpu.memref_slice %arg7[%scan3A_128, %swap3A_272, %swap3A_273] : memref<2x200x64xf32, #tpu.memory_space<vmem>> -> memref<1x200x64xf32, #tpu.memory_space<vmem>>
        %swap3A_275 = tpu.memref_squeeze %swap3A_274 : memref<1x200x64xf32, #tpu.memory_space<vmem>> -> memref<200x64xf32, #tpu.memory_space<vmem>>
        %swap3A_276 = arith.index_cast %add3A_229 : i32 to index
        %swap3A_277 = arith.constant 32 : index
        %swap3A_278 = tpu.vector_load %swap3A_275[%swap3A_276, %swap3A_277] {strides = array<i32>} : memref<200x64xf32, #tpu.memory_space<vmem>>, vector<1x16xf32>,
        %swap3A_279 = vector.shape_cast %swap3A_278 : vector<1x16xf32> to vector<16xf32>
        %swap3A_280 = vector.shape_cast %get3A_271 : vector<16xf32> to vector<1x16xf32>
        tpu.vector_store %swap3A_275[%swap3A_276, %swap3A_277], %swap3A_280 {strides = array<i32>} : memref<200x64xf32, #tpu.memory_space<vmem>>, vector<1x16xf32>,
        %get3A_281 = arith.constant 0 : i32
        %get3A_282 = arith.constant 0 : i32
        %get3A_283 = tpu.memref_slice %arg6[%scan3A_127, %get3A_281, %get3A_282] : memref<2x200x128xf32, #tpu.memory_space<vmem>> -> memref<1x200x128xf32, #tpu.memory_space<vmem>>
        %get3A_284 = tpu.memref_squeeze %get3A_283 : memref<1x200x128xf32, #tpu.memory_space<vmem>> -> memref<200x128xf32, #tpu.memory_space<vmem>>
        %get3A_285 = arith.index_cast %add3A_229 : i32 to index
        %get3A_286 = arith.constant 48 : index
        %get3A_287 = tpu.vector_load %get3A_284[%get3A_285, %get3A_286] {strides = array<i32>} : memref<200x128xf32, #tpu.memory_space<vmem>>, vector<1x16xf32>,
        %get3A_288 = vector.shape_cast %get3A_287 : vector<1x16xf32> to vector<16xf32>
        %swap3A_289 = arith.constant 0 : i32
        %swap3A_290 = arith.constant 0 : i32
        %swap3A_291 = tpu.memref_slice %arg7[%scan3A_128, %swap3A_289, %swap3A_290] : memref<2x200x64xf32, #tpu.memory_space<vmem>> -> memref<1x200x64xf32, #tpu.memory_space<vmem>>
        %swap3A_292 = tpu.memref_squeeze %swap3A_291 : memref<1x200x64xf32, #tpu.memory_space<vmem>> -> memref<200x64xf32, #tpu.memory_space<vmem>>
        %swap3A_293 = arith.index_cast %add3A_229 : i32 to index
        %swap3A_294 = arith.constant 48 : index
        %swap3A_295 = tpu.vector_load %swap3A_292[%swap3A_293, %swap3A_294] {strides = array<i32>} : memref<200x64xf32, #tpu.memory_space<vmem>>, vector<1x16xf32>,
        %swap3A_296 = vector.shape_cast %swap3A_295 : vector<1x16xf32> to vector<16xf32>
        %swap3A_297 = vector.shape_cast %get3A_288 : vector<16xf32> to vector<1x16xf32>
        tpu.vector_store %swap3A_292[%swap3A_293, %swap3A_294], %swap3A_297 {strides = array<i32>} : memref<200x64xf32, #tpu.memory_space<vmem>>, vector<1x16xf32>,
        %mul3A_298 = arith.constant 8 : i32
        %mul3A_299 = arith.muli %scan3A_155, %mul3A_298 : i32
        %add3A_300 = arith.constant 2 : i32
        %add3A_301 = arith.addi %mul3A_299, %add3A_300 : i32
        %get3A_302 = arith.constant 0 : i32
        %get3A_303 = arith.constant 0 : i32
        %get3A_304 = tpu.memref_slice %arg6[%scan3A_127, %get3A_302, %get3A_303] : memref<2x200x128xf32, #tpu.memory_space<vmem>> -> memref<1x200x128xf32, #tpu.memory_space<vmem>>
        %get3A_305 = tpu.memref_squeeze %get3A_304 : memref<1x200x128xf32, #tpu.memory_space<vmem>> -> memref<200x128xf32, #tpu.memory_space<vmem>>
        %get3A_306 = arith.index_cast %add3A_301 : i32 to index
        %get3A_307 = arith.constant 0 : index
        %get3A_308 = tpu.vector_load %get3A_305[%get3A_306, %get3A_307] {strides = array<i32>} : memref<200x128xf32, #tpu.memory_space<vmem>>, vector<1x16xf32>,
        %get3A_309 = vector.shape_cast %get3A_308 : vector<1x16xf32> to vector<16xf32>
        %swap3A_310 = arith.constant 0 : i32
        %swap3A_311 = arith.constant 0 : i32
        %swap3A_312 = tpu.memref_slice %arg7[%scan3A_128, %swap3A_310, %swap3A_311] : memref<2x200x64xf32, #tpu.memory_space<vmem>> -> memref<1x200x64xf32, #tpu.memory_space<vmem>>
        %swap3A_313 = tpu.memref_squeeze %swap3A_312 : memref<1x200x64xf32, #tpu.memory_space<vmem>> -> memref<200x64xf32, #tpu.memory_space<vmem>>
        %swap3A_314 = arith.index_cast %add3A_301 : i32 to index
        %swap3A_315 = arith.constant 0 : index
        %swap3A_316 = tpu.vector_load %swap3A_313[%swap3A_314, %swap3A_315] {strides = array<i32>} : memref<200x64xf32, #tpu.memory_space<vmem>>, vector<1x16xf32>,
        %swap3A_317 = vector.shape_cast %swap3A_316 : vector<1x16xf32> to vector<16xf32>
        %swap3A_318 = vector.shape_cast %get3A_309 : vector<16xf32> to vector<1x16xf32>
        tpu.vector_store %swap3A_313[%swap3A_314, %swap3A_315], %swap3A_318 {strides = array<i32>} : memref<200x64xf32, #tpu.memory_space<vmem>>, vector<1x16xf32>,
        %get3A_319 = arith.constant 0 : i32
        %get3A_320 = arith.constant 0 : i32
        %get3A_321 = tpu.memref_slice %arg6[%scan3A_127, %get3A_319, %get3A_320] : memref<2x200x128xf32, #tpu.memory_space<vmem>> -> memref<1x200x128xf32, #tpu.memory_space<vmem>>
        %get3A_322 = tpu.memref_squeeze %get3A_321 : memref<1x200x128xf32, #tpu.memory_space<vmem>> -> memref<200x128xf32, #tpu.memory_space<vmem>>
        %get3A_323 = arith.index_cast %add3A_301 : i32 to index
        %get3A_324 = arith.constant 16 : index
        %get3A_325 = tpu.vector_load %get3A_322[%get3A_323, %get3A_324] {strides = array<i32>} : memref<200x128xf32, #tpu.memory_space<vmem>>, vector<1x16xf32>,
        %get3A_326 = vector.shape_cast %get3A_325 : vector<1x16xf32> to vector<16xf32>
        %swap3A_327 = arith.constant 0 : i32
        %swap3A_328 = arith.constant 0 : i32
        %swap3A_329 = tpu.memref_slice %arg7[%scan3A_128, %swap3A_327, %swap3A_328] : memref<2x200x64xf32, #tpu.memory_space<vmem>> -> memref<1x200x64xf32, #tpu.memory_space<vmem>>
        %swap3A_330 = tpu.memref_squeeze %swap3A_329 : memref<1x200x64xf32, #tpu.memory_space<vmem>> -> memref<200x64xf32, #tpu.memory_space<vmem>>
        %swap3A_331 = arith.index_cast %add3A_301 : i32 to index
        %swap3A_332 = arith.constant 16 : index
        %swap3A_333 = tpu.vector_load %swap3A_330[%swap3A_331, %swap3A_332] {strides = array<i32>} : memref<200x64xf32, #tpu.memory_space<vmem>>, vector<1x16xf32>,
        %swap3A_334 = vector.shape_cast %swap3A_333 : vector<1x16xf32> to vector<16xf32>
        %swap3A_335 = vector.shape_cast %get3A_326 : vector<16xf32> to vector<1x16xf32>
        tpu.vector_store %swap3A_330[%swap3A_331, %swap3A_332], %swap3A_335 {strides = array<i32>} : memref<200x64xf32, #tpu.memory_space<vmem>>, vector<1x16xf32>,
        %get3A_336 = arith.constant 0 : i32
        %get3A_337 = arith.constant 0 : i32
        %get3A_338 = tpu.memref_slice %arg6[%scan3A_127, %get3A_336, %get3A_337] : memref<2x200x128xf32, #tpu.memory_space<vmem>> -> memref<1x200x128xf32, #tpu.memory_space<vmem>>
        %get3A_339 = tpu.memref_squeeze %get3A_338 : memref<1x200x128xf32, #tpu.memory_space<vmem>> -> memref<200x128xf32, #tpu.memory_space<vmem>>
        %get3A_340 = arith.index_cast %add3A_301 : i32 to index
        %get3A_341 = arith.constant 32 : index
        %get3A_342 = tpu.vector_load %get3A_339[%get3A_340, %get3A_341] {strides = array<i32>} : memref<200x128xf32, #tpu.memory_space<vmem>>, vector<1x16xf32>,
        %get3A_343 = vector.shape_cast %get3A_342 : vector<1x16xf32> to vector<16xf32>
        %swap3A_344 = arith.constant 0 : i32
        %swap3A_345 = arith.constant 0 : i32
        %swap3A_346 = tpu.memref_slice %arg7[%scan3A_128, %swap3A_344, %swap3A_345] : memref<2x200x64xf32, #tpu.memory_space<vmem>> -> memref<1x200x64xf32, #tpu.memory_space<vmem>>
        %swap3A_347 = tpu.memref_squeeze %swap3A_346 : memref<1x200x64xf32, #tpu.memory_space<vmem>> -> memref<200x64xf32, #tpu.memory_space<vmem>>
        %swap3A_348 = arith.index_cast %add3A_301 : i32 to index
        %swap3A_349 = arith.constant 32 : index
        %swap3A_350 = tpu.vector_load %swap3A_347[%swap3A_348, %swap3A_349] {strides = array<i32>} : memref<200x64xf32, #tpu.memory_space<vmem>>, vector<1x16xf32>,
        %swap3A_351 = vector.shape_cast %swap3A_350 : vector<1x16xf32> to vector<16xf32>
        %swap3A_352 = vector.shape_cast %get3A_343 : vector<16xf32> to vector<1x16xf32>
        tpu.vector_store %swap3A_347[%swap3A_348, %swap3A_349], %swap3A_352 {strides = array<i32>} : memref<200x64xf32, #tpu.memory_space<vmem>>, vector<1x16xf32>,
        %get3A_353 = arith.constant 0 : i32
        %get3A_354 = arith.constant 0 : i32
        %get3A_355 = tpu.memref_slice %arg6[%scan3A_127, %get3A_353, %get3A_354] : memref<2x200x128xf32, #tpu.memory_space<vmem>> -> memref<1x200x128xf32, #tpu.memory_space<vmem>>
        %get3A_356 = tpu.memref_squeeze %get3A_355 : memref<1x200x128xf32, #tpu.memory_space<vmem>> -> memref<200x128xf32, #tpu.memory_space<vmem>>
        %get3A_357 = arith.index_cast %add3A_301 : i32 to index
        %get3A_358 = arith.constant 48 : index
        %get3A_359 = tpu.vector_load %get3A_356[%get3A_357, %get3A_358] {strides = array<i32>} : memref<200x128xf32, #tpu.memory_space<vmem>>, vector<1x16xf32>,
        %get3A_360 = vector.shape_cast %get3A_359 : vector<1x16xf32> to vector<16xf32>
        %swap3A_361 = arith.constant 0 : i32
        %swap3A_362 = arith.constant 0 : i32
        %swap3A_363 = tpu.memref_slice %arg7[%scan3A_128, %swap3A_361, %swap3A_362] : memref<2x200x64xf32, #tpu.memory_space<vmem>> -> memref<1x200x64xf32, #tpu.memory_space<vmem>>
        %swap3A_364 = tpu.memref_squeeze %swap3A_363 : memref<1x200x64xf32, #tpu.memory_space<vmem>> -> memref<200x64xf32, #tpu.memory_space<vmem>>
        %swap3A_365 = arith.index_cast %add3A_301 : i32 to index
        %swap3A_366 = arith.constant 48 : index
        %swap3A_367 = tpu.vector_load %swap3A_364[%swap3A_365, %swap3A_366] {strides = array<i32>} : memref<200x64xf32, #tpu.memory_space<vmem>>, vector<1x16xf32>,
        %swap3A_368 = vector.shape_cast %swap3A_367 : vector<1x16xf32> to vector<16xf32>
        %swap3A_369 = vector.shape_cast %get3A_360 : vector<16xf32> to vector<1x16xf32>
        tpu.vector_store %swap3A_364[%swap3A_365, %swap3A_366], %swap3A_369 {strides = array<i32>} : memref<200x64xf32, #tpu.memory_space<vmem>>, vector<1x16xf32>,
        %mul3A_370 = arith.constant 8 : i32
        %mul3A_371 = arith.muli %scan3A_155, %mul3A_370 : i32
        %add3A_372 = arith.constant 3 : i32
        %add3A_373 = arith.addi %mul3A_371, %add3A_372 : i32
        %get3A_374 = arith.constant 0 : i32
        %get3A_375 = arith.constant 0 : i32
        %get3A_376 = tpu.memref_slice %arg6[%scan3A_127, %get3A_374, %get3A_375] : memref<2x200x128xf32, #tpu.memory_space<vmem>> -> memref<1x200x128xf32, #tpu.memory_space<vmem>>
        %get3A_377 = tpu.memref_squeeze %get3A_376 : memref<1x200x128xf32, #tpu.memory_space<vmem>> -> memref<200x128xf32, #tpu.memory_space<vmem>>
        %get3A_378 = arith.index_cast %add3A_373 : i32 to index
        %get3A_379 = arith.constant 0 : index
        %get3A_380 = tpu.vector_load %get3A_377[%get3A_378, %get3A_379] {strides = array<i32>} : memref<200x128xf32, #tpu.memory_space<vmem>>, vector<1x16xf32>,
        %get3A_381 = vector.shape_cast %get3A_380 : vector<1x16xf32> to vector<16xf32>
        %swap3A_382 = arith.constant 0 : i32
        %swap3A_383 = arith.constant 0 : i32
        %swap3A_384 = tpu.memref_slice %arg7[%scan3A_128, %swap3A_382, %swap3A_383] : memref<2x200x64xf32, #tpu.memory_space<vmem>> -> memref<1x200x64xf32, #tpu.memory_space<vmem>>
        %swap3A_385 = tpu.memref_squeeze %swap3A_384 : memref<1x200x64xf32, #tpu.memory_space<vmem>> -> memref<200x64xf32, #tpu.memory_space<vmem>>
        %swap3A_386 = arith.index_cast %add3A_373 : i32 to index
        %swap3A_387 = arith.constant 0 : index
        %swap3A_388 = tpu.vector_load %swap3A_385[%swap3A_386, %swap3A_387] {strides = array<i32>} : memref<200x64xf32, #tpu.memory_space<vmem>>, vector<1x16xf32>,
        %swap3A_389 = vector.shape_cast %swap3A_388 : vector<1x16xf32> to vector<16xf32>
        %swap3A_390 = vector.shape_cast %get3A_381 : vector<16xf32> to vector<1x16xf32>
        tpu.vector_store %swap3A_385[%swap3A_386, %swap3A_387], %swap3A_390 {strides = array<i32>} : memref<200x64xf32, #tpu.memory_space<vmem>>, vector<1x16xf32>,
        %get3A_391 = arith.constant 0 : i32
        %get3A_392 = arith.constant 0 : i32
        %get3A_393 = tpu.memref_slice %arg6[%scan3A_127, %get3A_391, %get3A_392] : memref<2x200x128xf32, #tpu.memory_space<vmem>> -> memref<1x200x128xf32, #tpu.memory_space<vmem>>
        %get3A_394 = tpu.memref_squeeze %get3A_393 : memref<1x200x128xf32, #tpu.memory_space<vmem>> -> memref<200x128xf32, #tpu.memory_space<vmem>>
        %get3A_395 = arith.index_cast %add3A_373 : i32 to index
        %get3A_396 = arith.constant 16 : index
        %get3A_397 = tpu.vector_load %get3A_394[%get3A_395, %get3A_396] {strides = array<i32>} : memref<200x128xf32, #tpu.memory_space<vmem>>, vector<1x16xf32>,
        %get3A_398 = vector.shape_cast %get3A_397 : vector<1x16xf32> to vector<16xf32>
        %swap3A_399 = arith.constant 0 : i32
        %swap3A_400 = arith.constant 0 : i32
        %swap3A_401 = tpu.memref_slice %arg7[%scan3A_128, %swap3A_399, %swap3A_400] : memref<2x200x64xf32, #tpu.memory_space<vmem>> -> memref<1x200x64xf32, #tpu.memory_space<vmem>>
        %swap3A_402 = tpu.memref_squeeze %swap3A_401 : memref<1x200x64xf32, #tpu.memory_space<vmem>> -> memref<200x64xf32, #tpu.memory_space<vmem>>
        %swap3A_403 = arith.index_cast %add3A_373 : i32 to index
        %swap3A_404 = arith.constant 16 : index
        %swap3A_405 = tpu.vector_load %swap3A_402[%swap3A_403, %swap3A_404] {strides = array<i32>} : memref<200x64xf32, #tpu.memory_space<vmem>>, vector<1x16xf32>,
        %swap3A_406 = vector.shape_cast %swap3A_405 : vector<1x16xf32> to vector<16xf32>
        %swap3A_407 = vector.shape_cast %get3A_398 : vector<16xf32> to vector<1x16xf32>
        tpu.vector_store %swap3A_402[%swap3A_403, %swap3A_404], %swap3A_407 {strides = array<i32>} : memref<200x64xf32, #tpu.memory_space<vmem>>, vector<1x16xf32>,
        %get3A_408 = arith.constant 0 : i32
        %get3A_409 = arith.constant 0 : i32
        %get3A_410 = tpu.memref_slice %arg6[%scan3A_127, %get3A_408, %get3A_409] : memref<2x200x128xf32, #tpu.memory_space<vmem>> -> memref<1x200x128xf32, #tpu.memory_space<vmem>>
        %get3A_411 = tpu.memref_squeeze %get3A_410 : memref<1x200x128xf32, #tpu.memory_space<vmem>> -> memref<200x128xf32, #tpu.memory_space<vmem>>
        %get3A_412 = arith.index_cast %add3A_373 : i32 to index
        %get3A_413 = arith.constant 32 : index
        %get3A_414 = tpu.vector_load %get3A_411[%get3A_412, %get3A_413] {strides = array<i32>} : memref<200x128xf32, #tpu.memory_space<vmem>>, vector<1x16xf32>,
        %get3A_415 = vector.shape_cast %get3A_414 : vector<1x16xf32> to vector<16xf32>
        %swap3A_416 = arith.constant 0 : i32
        %swap3A_417 = arith.constant 0 : i32
        %swap3A_418 = tpu.memref_slice %arg7[%scan3A_128, %swap3A_416, %swap3A_417] : memref<2x200x64xf32, #tpu.memory_space<vmem>> -> memref<1x200x64xf32, #tpu.memory_space<vmem>>
        %swap3A_419 = tpu.memref_squeeze %swap3A_418 : memref<1x200x64xf32, #tpu.memory_space<vmem>> -> memref<200x64xf32, #tpu.memory_space<vmem>>
        %swap3A_420 = arith.index_cast %add3A_373 : i32 to index
        %swap3A_421 = arith.constant 32 : index
        %swap3A_422 = tpu.vector_load %swap3A_419[%swap3A_420, %swap3A_421] {strides = array<i32>} : memref<200x64xf32, #tpu.memory_space<vmem>>, vector<1x16xf32>,
        %swap3A_423 = vector.shape_cast %swap3A_422 : vector<1x16xf32> to vector<16xf32>
        %swap3A_424 = vector.shape_cast %get3A_415 : vector<16xf32> to vector<1x16xf32>
        tpu.vector_store %swap3A_419[%swap3A_420, %swap3A_421], %swap3A_424 {strides = array<i32>} : memref<200x64xf32, #tpu.memory_space<vmem>>, vector<1x16xf32>,
        %get3A_425 = arith.constant 0 : i32
        %get3A_426 = arith.constant 0 : i32
        %get3A_427 = tpu.memref_slice %arg6[%scan3A_127, %get3A_425, %get3A_426] : memref<2x200x128xf32, #tpu.memory_space<vmem>> -> memref<1x200x128xf32, #tpu.memory_space<vmem>>
        %get3A_428 = tpu.memref_squeeze %get3A_427 : memref<1x200x128xf32, #tpu.memory_space<vmem>> -> memref<200x128xf32, #tpu.memory_space<vmem>>
        %get3A_429 = arith.index_cast %add3A_373 : i32 to index
        %get3A_430 = arith.constant 48 : index
        %get3A_431 = tpu.vector_load %get3A_428[%get3A_429, %get3A_430] {strides = array<i32>} : memref<200x128xf32, #tpu.memory_space<vmem>>, vector<1x16xf32>,
        %get3A_432 = vector.shape_cast %get3A_431 : vector<1x16xf32> to vector<16xf32>
        %swap3A_433 = arith.constant 0 : i32
        %swap3A_434 = arith.constant 0 : i32
        %swap3A_435 = tpu.memref_slice %arg7[%scan3A_128, %swap3A_433, %swap3A_434] : memref<2x200x64xf32, #tpu.memory_space<vmem>> -> memref<1x200x64xf32, #tpu.memory_space<vmem>>
        %swap3A_436 = tpu.memref_squeeze %swap3A_435 : memref<1x200x64xf32, #tpu.memory_space<vmem>> -> memref<200x64xf32, #tpu.memory_space<vmem>>
        %swap3A_437 = arith.index_cast %add3A_373 : i32 to index
        %swap3A_438 = arith.constant 48 : index
        %swap3A_439 = tpu.vector_load %swap3A_436[%swap3A_437, %swap3A_438] {strides = array<i32>} : memref<200x64xf32, #tpu.memory_space<vmem>>, vector<1x16xf32>,
        %swap3A_440 = vector.shape_cast %swap3A_439 : vector<1x16xf32> to vector<16xf32>
        %swap3A_441 = vector.shape_cast %get3A_432 : vector<16xf32> to vector<1x16xf32>
        tpu.vector_store %swap3A_436[%swap3A_437, %swap3A_438], %swap3A_441 {strides = array<i32>} : memref<200x64xf32, #tpu.memory_space<vmem>>, vector<1x16xf32>,
        %mul3A_442 = arith.constant 8 : i32
        %mul3A_443 = arith.muli %scan3A_155, %mul3A_442 : i32
        %add3A_444 = arith.constant 4 : i32
        %add3A_445 = arith.addi %mul3A_443, %add3A_444 : i32
        %get3A_446 = arith.constant 0 : i32
        %get3A_447 = arith.constant 0 : i32
        %get3A_448 = tpu.memref_slice %arg6[%scan3A_127, %get3A_446, %get3A_447] : memref<2x200x128xf32, #tpu.memory_space<vmem>> -> memref<1x200x128xf32, #tpu.memory_space<vmem>>
        %get3A_449 = tpu.memref_squeeze %get3A_448 : memref<1x200x128xf32, #tpu.memory_space<vmem>> -> memref<200x128xf32, #tpu.memory_space<vmem>>
        %get3A_450 = arith.index_cast %add3A_445 : i32 to index
        %get3A_451 = arith.constant 0 : index
        %get3A_452 = tpu.vector_load %get3A_449[%get3A_450, %get3A_451] {strides = array<i32>} : memref<200x128xf32, #tpu.memory_space<vmem>>, vector<1x16xf32>,
        %get3A_453 = vector.shape_cast %get3A_452 : vector<1x16xf32> to vector<16xf32>
        %swap3A_454 = arith.constant 0 : i32
        %swap3A_455 = arith.constant 0 : i32
        %swap3A_456 = tpu.memref_slice %arg7[%scan3A_128, %swap3A_454, %swap3A_455] : memref<2x200x64xf32, #tpu.memory_space<vmem>> -> memref<1x200x64xf32, #tpu.memory_space<vmem>>
        %swap3A_457 = tpu.memref_squeeze %swap3A_456 : memref<1x200x64xf32, #tpu.memory_space<vmem>> -> memref<200x64xf32, #tpu.memory_space<vmem>>
        %swap3A_458 = arith.index_cast %add3A_445 : i32 to index
        %swap3A_459 = arith.constant 0 : index
        %swap3A_460 = tpu.vector_load %swap3A_457[%swap3A_458, %swap3A_459] {strides = array<i32>} : memref<200x64xf32, #tpu.memory_space<vmem>>, vector<1x16xf32>,
        %swap3A_461 = vector.shape_cast %swap3A_460 : vector<1x16xf32> to vector<16xf32>
        %swap3A_462 = vector.shape_cast %get3A_453 : vector<16xf32> to vector<1x16xf32>
        tpu.vector_store %swap3A_457[%swap3A_458, %swap3A_459], %swap3A_462 {strides = array<i32>} : memref<200x64xf32, #tpu.memory_space<vmem>>, vector<1x16xf32>,
        %get3A_463 = arith.constant 0 : i32
        %get3A_464 = arith.constant 0 : i32
        %get3A_465 = tpu.memref_slice %arg6[%scan3A_127, %get3A_463, %get3A_464] : memref<2x200x128xf32, #tpu.memory_space<vmem>> -> memref<1x200x128xf32, #tpu.memory_space<vmem>>
        %get3A_466 = tpu.memref_squeeze %get3A_465 : memref<1x200x128xf32, #tpu.memory_space<vmem>> -> memref<200x128xf32, #tpu.memory_space<vmem>>
        %get3A_467 = arith.index_cast %add3A_445 : i32 to index
        %get3A_468 = arith.constant 16 : index
        %get3A_469 = tpu.vector_load %get3A_466[%get3A_467, %get3A_468] {strides = array<i32>} : memref<200x128xf32, #tpu.memory_space<vmem>>, vector<1x16xf32>,
        %get3A_470 = vector.shape_cast %get3A_469 : vector<1x16xf32> to vector<16xf32>
        %swap3A_471 = arith.constant 0 : i32
        %swap3A_472 = arith.constant 0 : i32
        %swap3A_473 = tpu.memref_slice %arg7[%scan3A_128, %swap3A_471, %swap3A_472] : memref<2x200x64xf32, #tpu.memory_space<vmem>> -> memref<1x200x64xf32, #tpu.memory_space<vmem>>
        %swap3A_474 = tpu.memref_squeeze %swap3A_473 : memref<1x200x64xf32, #tpu.memory_space<vmem>> -> memref<200x64xf32, #tpu.memory_space<vmem>>
        %swap3A_475 = arith.index_cast %add3A_445 : i32 to index
        %swap3A_476 = arith.constant 16 : index
        %swap3A_477 = tpu.vector_load %swap3A_474[%swap3A_475, %swap3A_476] {strides = array<i32>} : memref<200x64xf32, #tpu.memory_space<vmem>>, vector<1x16xf32>,
        %swap3A_478 = vector.shape_cast %swap3A_477 : vector<1x16xf32> to vector<16xf32>
        %swap3A_479 = vector.shape_cast %get3A_470 : vector<16xf32> to vector<1x16xf32>
        tpu.vector_store %swap3A_474[%swap3A_475, %swap3A_476], %swap3A_479 {strides = array<i32>} : memref<200x64xf32, #tpu.memory_space<vmem>>, vector<1x16xf32>,
        %get3A_480 = arith.constant 0 : i32
        %get3A_481 = arith.constant 0 : i32
        %get3A_482 = tpu.memref_slice %arg6[%scan3A_127, %get3A_480, %get3A_481] : memref<2x200x128xf32, #tpu.memory_space<vmem>> -> memref<1x200x128xf32, #tpu.memory_space<vmem>>
        %get3A_483 = tpu.memref_squeeze %get3A_482 : memref<1x200x128xf32, #tpu.memory_space<vmem>> -> memref<200x128xf32, #tpu.memory_space<vmem>>
        %get3A_484 = arith.index_cast %add3A_445 : i32 to index
        %get3A_485 = arith.constant 32 : index
        %get3A_486 = tpu.vector_load %get3A_483[%get3A_484, %get3A_485] {strides = array<i32>} : memref<200x128xf32, #tpu.memory_space<vmem>>, vector<1x16xf32>,
        %get3A_487 = vector.shape_cast %get3A_486 : vector<1x16xf32> to vector<16xf32>
        %swap3A_488 = arith.constant 0 : i32
        %swap3A_489 = arith.constant 0 : i32
        %swap3A_490 = tpu.memref_slice %arg7[%scan3A_128, %swap3A_488, %swap3A_489] : memref<2x200x64xf32, #tpu.memory_space<vmem>> -> memref<1x200x64xf32, #tpu.memory_space<vmem>>
        %swap3A_491 = tpu.memref_squeeze %swap3A_490 : memref<1x200x64xf32, #tpu.memory_space<vmem>> -> memref<200x64xf32, #tpu.memory_space<vmem>>
        %swap3A_492 = arith.index_cast %add3A_445 : i32 to index
        %swap3A_493 = arith.constant 32 : index
        %swap3A_494 = tpu.vector_load %swap3A_491[%swap3A_492, %swap3A_493] {strides = array<i32>} : memref<200x64xf32, #tpu.memory_space<vmem>>, vector<1x16xf32>,
        %swap3A_495 = vector.shape_cast %swap3A_494 : vector<1x16xf32> to vector<16xf32>
        %swap3A_496 = vector.shape_cast %get3A_487 : vector<16xf32> to vector<1x16xf32>
        tpu.vector_store %swap3A_491[%swap3A_492, %swap3A_493], %swap3A_496 {strides = array<i32>} : memref<200x64xf32, #tpu.memory_space<vmem>>, vector<1x16xf32>,
        %get3A_497 = arith.constant 0 : i32
        %get3A_498 = arith.constant 0 : i32
        %get3A_499 = tpu.memref_slice %arg6[%scan3A_127, %get3A_497, %get3A_498] : memref<2x200x128xf32, #tpu.memory_space<vmem>> -> memref<1x200x128xf32, #tpu.memory_space<vmem>>
        %get3A_500 = tpu.memref_squeeze %get3A_499 : memref<1x200x128xf32, #tpu.memory_space<vmem>> -> memref<200x128xf32, #tpu.memory_space<vmem>>
        %get3A_501 = arith.index_cast %add3A_445 : i32 to index
        %get3A_502 = arith.constant 48 : index
        %get3A_503 = tpu.vector_load %get3A_500[%get3A_501, %get3A_502] {strides = array<i32>} : memref<200x128xf32, #tpu.memory_space<vmem>>, vector<1x16xf32>,
        %get3A_504 = vector.shape_cast %get3A_503 : vector<1x16xf32> to vector<16xf32>
        %swap3A_505 = arith.constant 0 : i32
        %swap3A_506 = arith.constant 0 : i32
        %swap3A_507 = tpu.memref_slice %arg7[%scan3A_128, %swap3A_505, %swap3A_506] : memref<2x200x64xf32, #tpu.memory_space<vmem>> -> memref<1x200x64xf32, #tpu.memory_space<vmem>>
        %swap3A_508 = tpu.memref_squeeze %swap3A_507 : memref<1x200x64xf32, #tpu.memory_space<vmem>> -> memref<200x64xf32, #tpu.memory_space<vmem>>
        %swap3A_509 = arith.index_cast %add3A_445 : i32 to index
        %swap3A_510 = arith.constant 48 : index
        %swap3A_511 = tpu.vector_load %swap3A_508[%swap3A_509, %swap3A_510] {strides = array<i32>} : memref<200x64xf32, #tpu.memory_space<vmem>>, vector<1x16xf32>,
        %swap3A_512 = vector.shape_cast %swap3A_511 : vector<1x16xf32> to vector<16xf32>
        %swap3A_513 = vector.shape_cast %get3A_504 : vector<16xf32> to vector<1x16xf32>
        tpu.vector_store %swap3A_508[%swap3A_509, %swap3A_510], %swap3A_513 {strides = array<i32>} : memref<200x64xf32, #tpu.memory_space<vmem>>, vector<1x16xf32>,
        %mul3A_514 = arith.constant 8 : i32
        %mul3A_515 = arith.muli %scan3A_155, %mul3A_514 : i32
        %add3A_516 = arith.constant 5 : i32
        %add3A_517 = arith.addi %mul3A_515, %add3A_516 : i32
        %get3A_518 = arith.constant 0 : i32
        %get3A_519 = arith.constant 0 : i32
        %get3A_520 = tpu.memref_slice %arg6[%scan3A_127, %get3A_518, %get3A_519] : memref<2x200x128xf32, #tpu.memory_space<vmem>> -> memref<1x200x128xf32, #tpu.memory_space<vmem>>
        %get3A_521 = tpu.memref_squeeze %get3A_520 : memref<1x200x128xf32, #tpu.memory_space<vmem>> -> memref<200x128xf32, #tpu.memory_space<vmem>>
        %get3A_522 = arith.index_cast %add3A_517 : i32 to index
        %get3A_523 = arith.constant 0 : index
        %get3A_524 = tpu.vector_load %get3A_521[%get3A_522, %get3A_523] {strides = array<i32>} : memref<200x128xf32, #tpu.memory_space<vmem>>, vector<1x16xf32>,
        %get3A_525 = vector.shape_cast %get3A_524 : vector<1x16xf32> to vector<16xf32>
        %swap3A_526 = arith.constant 0 : i32
        %swap3A_527 = arith.constant 0 : i32
        %swap3A_528 = tpu.memref_slice %arg7[%scan3A_128, %swap3A_526, %swap3A_527] : memref<2x200x64xf32, #tpu.memory_space<vmem>> -> memref<1x200x64xf32, #tpu.memory_space<vmem>>
        %swap3A_529 = tpu.memref_squeeze %swap3A_528 : memref<1x200x64xf32, #tpu.memory_space<vmem>> -> memref<200x64xf32, #tpu.memory_space<vmem>>
        %swap3A_530 = arith.index_cast %add3A_517 : i32 to index
        %swap3A_531 = arith.constant 0 : index
        %swap3A_532 = tpu.vector_load %swap3A_529[%swap3A_530, %swap3A_531] {strides = array<i32>} : memref<200x64xf32, #tpu.memory_space<vmem>>, vector<1x16xf32>,
        %swap3A_533 = vector.shape_cast %swap3A_532 : vector<1x16xf32> to vector<16xf32>
        %swap3A_534 = vector.shape_cast %get3A_525 : vector<16xf32> to vector<1x16xf32>
        tpu.vector_store %swap3A_529[%swap3A_530, %swap3A_531], %swap3A_534 {strides = array<i32>} : memref<200x64xf32, #tpu.memory_space<vmem>>, vector<1x16xf32>,
        %get3A_535 = arith.constant 0 : i32
        %get3A_536 = arith.constant 0 : i32
        %get3A_537 = tpu.memref_slice %arg6[%scan3A_127, %get3A_535, %get3A_536] : memref<2x200x128xf32, #tpu.memory_space<vmem>> -> memref<1x200x128xf32, #tpu.memory_space<vmem>>
        %get3A_538 = tpu.memref_squeeze %get3A_537 : memref<1x200x128xf32, #tpu.memory_space<vmem>> -> memref<200x128xf32, #tpu.memory_space<vmem>>
        %get3A_539 = arith.index_cast %add3A_517 : i32 to index
        %get3A_540 = arith.constant 16 : index
        %get3A_541 = tpu.vector_load %get3A_538[%get3A_539, %get3A_540] {strides = array<i32>} : memref<200x128xf32, #tpu.memory_space<vmem>>, vector<1x16xf32>,
        %get3A_542 = vector.shape_cast %get3A_541 : vector<1x16xf32> to vector<16xf32>
        %swap3A_543 = arith.constant 0 : i32
        %swap3A_544 = arith.constant 0 : i32
        %swap3A_545 = tpu.memref_slice %arg7[%scan3A_128, %swap3A_543, %swap3A_544] : memref<2x200x64xf32, #tpu.memory_space<vmem>> -> memref<1x200x64xf32, #tpu.memory_space<vmem>>
        %swap3A_546 = tpu.memref_squeeze %swap3A_545 : memref<1x200x64xf32, #tpu.memory_space<vmem>> -> memref<200x64xf32, #tpu.memory_space<vmem>>
        %swap3A_547 = arith.index_cast %add3A_517 : i32 to index
        %swap3A_548 = arith.constant 16 : index
        %swap3A_549 = tpu.vector_load %swap3A_546[%swap3A_547, %swap3A_548] {strides = array<i32>} : memref<200x64xf32, #tpu.memory_space<vmem>>, vector<1x16xf32>,
        %swap3A_550 = vector.shape_cast %swap3A_549 : vector<1x16xf32> to vector<16xf32>
        %swap3A_551 = vector.shape_cast %get3A_542 : vector<16xf32> to vector<1x16xf32>
        tpu.vector_store %swap3A_546[%swap3A_547, %swap3A_548], %swap3A_551 {strides = array<i32>} : memref<200x64xf32, #tpu.memory_space<vmem>>, vector<1x16xf32>,
        %get3A_552 = arith.constant 0 : i32
        %get3A_553 = arith.constant 0 : i32
        %get3A_554 = tpu.memref_slice %arg6[%scan3A_127, %get3A_552, %get3A_553] : memref<2x200x128xf32, #tpu.memory_space<vmem>> -> memref<1x200x128xf32, #tpu.memory_space<vmem>>
        %get3A_555 = tpu.memref_squeeze %get3A_554 : memref<1x200x128xf32, #tpu.memory_space<vmem>> -> memref<200x128xf32, #tpu.memory_space<vmem>>
        %get3A_556 = arith.index_cast %add3A_517 : i32 to index
        %get3A_557 = arith.constant 32 : index
        %get3A_558 = tpu.vector_load %get3A_555[%get3A_556, %get3A_557] {strides = array<i32>} : memref<200x128xf32, #tpu.memory_space<vmem>>, vector<1x16xf32>,
        %get3A_559 = vector.shape_cast %get3A_558 : vector<1x16xf32> to vector<16xf32>
        %swap3A_560 = arith.constant 0 : i32
        %swap3A_561 = arith.constant 0 : i32
        %swap3A_562 = tpu.memref_slice %arg7[%scan3A_128, %swap3A_560, %swap3A_561] : memref<2x200x64xf32, #tpu.memory_space<vmem>> -> memref<1x200x64xf32, #tpu.memory_space<vmem>>
        %swap3A_563 = tpu.memref_squeeze %swap3A_562 : memref<1x200x64xf32, #tpu.memory_space<vmem>> -> memref<200x64xf32, #tpu.memory_space<vmem>>
        %swap3A_564 = arith.index_cast %add3A_517 : i32 to index
        %swap3A_565 = arith.constant 32 : index
        %swap3A_566 = tpu.vector_load %swap3A_563[%swap3A_564, %swap3A_565] {strides = array<i32>} : memref<200x64xf32, #tpu.memory_space<vmem>>, vector<1x16xf32>,
        %swap3A_567 = vector.shape_cast %swap3A_566 : vector<1x16xf32> to vector<16xf32>
        %swap3A_568 = vector.shape_cast %get3A_559 : vector<16xf32> to vector<1x16xf32>
        tpu.vector_store %swap3A_563[%swap3A_564, %swap3A_565], %swap3A_568 {strides = array<i32>} : memref<200x64xf32, #tpu.memory_space<vmem>>, vector<1x16xf32>,
        %get3A_569 = arith.constant 0 : i32
        %get3A_570 = arith.constant 0 : i32
        %get3A_571 = tpu.memref_slice %arg6[%scan3A_127, %get3A_569, %get3A_570] : memref<2x200x128xf32, #tpu.memory_space<vmem>> -> memref<1x200x128xf32, #tpu.memory_space<vmem>>
        %get3A_572 = tpu.memref_squeeze %get3A_571 : memref<1x200x128xf32, #tpu.memory_space<vmem>> -> memref<200x128xf32, #tpu.memory_space<vmem>>
        %get3A_573 = arith.index_cast %add3A_517 : i32 to index
        %get3A_574 = arith.constant 48 : index
        %get3A_575 = tpu.vector_load %get3A_572[%get3A_573, %get3A_574] {strides = array<i32>} : memref<200x128xf32, #tpu.memory_space<vmem>>, vector<1x16xf32>,
        %get3A_576 = vector.shape_cast %get3A_575 : vector<1x16xf32> to vector<16xf32>
        %swap3A_577 = arith.constant 0 : i32
        %swap3A_578 = arith.constant 0 : i32
        %swap3A_579 = tpu.memref_slice %arg7[%scan3A_128, %swap3A_577, %swap3A_578] : memref<2x200x64xf32, #tpu.memory_space<vmem>> -> memref<1x200x64xf32, #tpu.memory_space<vmem>>
        %swap3A_580 = tpu.memref_squeeze %swap3A_579 : memref<1x200x64xf32, #tpu.memory_space<vmem>> -> memref<200x64xf32, #tpu.memory_space<vmem>>
        %swap3A_581 = arith.index_cast %add3A_517 : i32 to index
        %swap3A_582 = arith.constant 48 : index
        %swap3A_583 = tpu.vector_load %swap3A_580[%swap3A_581, %swap3A_582] {strides = array<i32>} : memref<200x64xf32, #tpu.memory_space<vmem>>, vector<1x16xf32>,
        %swap3A_584 = vector.shape_cast %swap3A_583 : vector<1x16xf32> to vector<16xf32>
        %swap3A_585 = vector.shape_cast %get3A_576 : vector<16xf32> to vector<1x16xf32>
        tpu.vector_store %swap3A_580[%swap3A_581, %swap3A_582], %swap3A_585 {strides = array<i32>} : memref<200x64xf32, #tpu.memory_space<vmem>>, vector<1x16xf32>,
        %mul3A_586 = arith.constant 8 : i32
        %mul3A_587 = arith.muli %scan3A_155, %mul3A_586 : i32
        %add3A_588 = arith.constant 6 : i32
        %add3A_589 = arith.addi %mul3A_587, %add3A_588 : i32
        %get3A_590 = arith.constant 0 : i32
        %get3A_591 = arith.constant 0 : i32
        %get3A_592 = tpu.memref_slice %arg6[%scan3A_127, %get3A_590, %get3A_591] : memref<2x200x128xf32, #tpu.memory_space<vmem>> -> memref<1x200x128xf32, #tpu.memory_space<vmem>>
        %get3A_593 = tpu.memref_squeeze %get3A_592 : memref<1x200x128xf32, #tpu.memory_space<vmem>> -> memref<200x128xf32, #tpu.memory_space<vmem>>
        %get3A_594 = arith.index_cast %add3A_589 : i32 to index
        %get3A_595 = arith.constant 0 : index
        %get3A_596 = tpu.vector_load %get3A_593[%get3A_594, %get3A_595] {strides = array<i32>} : memref<200x128xf32, #tpu.memory_space<vmem>>, vector<1x16xf32>,
        %get3A_597 = vector.shape_cast %get3A_596 : vector<1x16xf32> to vector<16xf32>
        %swap3A_598 = arith.constant 0 : i32
        %swap3A_599 = arith.constant 0 : i32
        %swap3A_600 = tpu.memref_slice %arg7[%scan3A_128, %swap3A_598, %swap3A_599] : memref<2x200x64xf32, #tpu.memory_space<vmem>> -> memref<1x200x64xf32, #tpu.memory_space<vmem>>
        %swap3A_601 = tpu.memref_squeeze %swap3A_600 : memref<1x200x64xf32, #tpu.memory_space<vmem>> -> memref<200x64xf32, #tpu.memory_space<vmem>>
        %swap3A_602 = arith.index_cast %add3A_589 : i32 to index
        %swap3A_603 = arith.constant 0 : index
        %swap3A_604 = tpu.vector_load %swap3A_601[%swap3A_602, %swap3A_603] {strides = array<i32>} : memref<200x64xf32, #tpu.memory_space<vmem>>, vector<1x16xf32>,
        %swap3A_605 = vector.shape_cast %swap3A_604 : vector<1x16xf32> to vector<16xf32>
        %swap3A_606 = vector.shape_cast %get3A_597 : vector<16xf32> to vector<1x16xf32>
        tpu.vector_store %swap3A_601[%swap3A_602, %swap3A_603], %swap3A_606 {strides = array<i32>} : memref<200x64xf32, #tpu.memory_space<vmem>>, vector<1x16xf32>,
        %get3A_607 = arith.constant 0 : i32
        %get3A_608 = arith.constant 0 : i32
        %get3A_609 = tpu.memref_slice %arg6[%scan3A_127, %get3A_607, %get3A_608] : memref<2x200x128xf32, #tpu.memory_space<vmem>> -> memref<1x200x128xf32, #tpu.memory_space<vmem>>
        %get3A_610 = tpu.memref_squeeze %get3A_609 : memref<1x200x128xf32, #tpu.memory_space<vmem>> -> memref<200x128xf32, #tpu.memory_space<vmem>>
        %get3A_611 = arith.index_cast %add3A_589 : i32 to index
        %get3A_612 = arith.constant 16 : index
        %get3A_613 = tpu.vector_load %get3A_610[%get3A_611, %get3A_612] {strides = array<i32>} : memref<200x128xf32, #tpu.memory_space<vmem>>, vector<1x16xf32>,
        %get3A_614 = vector.shape_cast %get3A_613 : vector<1x16xf32> to vector<16xf32>
        %swap3A_615 = arith.constant 0 : i32
        %swap3A_616 = arith.constant 0 : i32
        %swap3A_617 = tpu.memref_slice %arg7[%scan3A_128, %swap3A_615, %swap3A_616] : memref<2x200x64xf32, #tpu.memory_space<vmem>> -> memref<1x200x64xf32, #tpu.memory_space<vmem>>
        %swap3A_618 = tpu.memref_squeeze %swap3A_617 : memref<1x200x64xf32, #tpu.memory_space<vmem>> -> memref<200x64xf32, #tpu.memory_space<vmem>>
        %swap3A_619 = arith.index_cast %add3A_589 : i32 to index
        %swap3A_620 = arith.constant 16 : index
        %swap3A_621 = tpu.vector_load %swap3A_618[%swap3A_619, %swap3A_620] {strides = array<i32>} : memref<200x64xf32, #tpu.memory_space<vmem>>, vector<1x16xf32>,
        %swap3A_622 = vector.shape_cast %swap3A_621 : vector<1x16xf32> to vector<16xf32>
        %swap3A_623 = vector.shape_cast %get3A_614 : vector<16xf32> to vector<1x16xf32>
        tpu.vector_store %swap3A_618[%swap3A_619, %swap3A_620], %swap3A_623 {strides = array<i32>} : memref<200x64xf32, #tpu.memory_space<vmem>>, vector<1x16xf32>,
        %get3A_624 = arith.constant 0 : i32
        %get3A_625 = arith.constant 0 : i32
        %get3A_626 = tpu.memref_slice %arg6[%scan3A_127, %get3A_624, %get3A_625] : memref<2x200x128xf32, #tpu.memory_space<vmem>> -> memref<1x200x128xf32, #tpu.memory_space<vmem>>
        %get3A_627 = tpu.memref_squeeze %get3A_626 : memref<1x200x128xf32, #tpu.memory_space<vmem>> -> memref<200x128xf32, #tpu.memory_space<vmem>>
        %get3A_628 = arith.index_cast %add3A_589 : i32 to index
        %get3A_629 = arith.constant 32 : index
        %get3A_630 = tpu.vector_load %get3A_627[%get3A_628, %get3A_629] {strides = array<i32>} : memref<200x128xf32, #tpu.memory_space<vmem>>, vector<1x16xf32>,
        %get3A_631 = vector.shape_cast %get3A_630 : vector<1x16xf32> to vector<16xf32>
        %swap3A_632 = arith.constant 0 : i32
        %swap3A_633 = arith.constant 0 : i32
        %swap3A_634 = tpu.memref_slice %arg7[%scan3A_128, %swap3A_632, %swap3A_633] : memref<2x200x64xf32, #tpu.memory_space<vmem>> -> memref<1x200x64xf32, #tpu.memory_space<vmem>>
        %swap3A_635 = tpu.memref_squeeze %swap3A_634 : memref<1x200x64xf32, #tpu.memory_space<vmem>> -> memref<200x64xf32, #tpu.memory_space<vmem>>
        %swap3A_636 = arith.index_cast %add3A_589 : i32 to index
        %swap3A_637 = arith.constant 32 : index
        %swap3A_638 = tpu.vector_load %swap3A_635[%swap3A_636, %swap3A_637] {strides = array<i32>} : memref<200x64xf32, #tpu.memory_space<vmem>>, vector<1x16xf32>,
        %swap3A_639 = vector.shape_cast %swap3A_638 : vector<1x16xf32> to vector<16xf32>
        %swap3A_640 = vector.shape_cast %get3A_631 : vector<16xf32> to vector<1x16xf32>
        tpu.vector_store %swap3A_635[%swap3A_636, %swap3A_637], %swap3A_640 {strides = array<i32>} : memref<200x64xf32, #tpu.memory_space<vmem>>, vector<1x16xf32>,
        %get3A_641 = arith.constant 0 : i32
        %get3A_642 = arith.constant 0 : i32
        %get3A_643 = tpu.memref_slice %arg6[%scan3A_127, %get3A_641, %get3A_642] : memref<2x200x128xf32, #tpu.memory_space<vmem>> -> memref<1x200x128xf32, #tpu.memory_space<vmem>>
        %get3A_644 = tpu.memref_squeeze %get3A_643 : memref<1x200x128xf32, #tpu.memory_space<vmem>> -> memref<200x128xf32, #tpu.memory_space<vmem>>
        %get3A_645 = arith.index_cast %add3A_589 : i32 to index
        %get3A_646 = arith.constant 48 : index
        %get3A_647 = tpu.vector_load %get3A_644[%get3A_645, %get3A_646] {strides = array<i32>} : memref<200x128xf32, #tpu.memory_space<vmem>>, vector<1x16xf32>,
        %get3A_648 = vector.shape_cast %get3A_647 : vector<1x16xf32> to vector<16xf32>
        %swap3A_649 = arith.constant 0 : i32
        %swap3A_650 = arith.constant 0 : i32
        %swap3A_651 = tpu.memref_slice %arg7[%scan3A_128, %swap3A_649, %swap3A_650] : memref<2x200x64xf32, #tpu.memory_space<vmem>> -> memref<1x200x64xf32, #tpu.memory_space<vmem>>
        %swap3A_652 = tpu.memref_squeeze %swap3A_651 : memref<1x200x64xf32, #tpu.memory_space<vmem>> -> memref<200x64xf32, #tpu.memory_space<vmem>>
        %swap3A_653 = arith.index_cast %add3A_589 : i32 to index
        %swap3A_654 = arith.constant 48 : index
        %swap3A_655 = tpu.vector_load %swap3A_652[%swap3A_653, %swap3A_654] {strides = array<i32>} : memref<200x64xf32, #tpu.memory_space<vmem>>, vector<1x16xf32>,
        %swap3A_656 = vector.shape_cast %swap3A_655 : vector<1x16xf32> to vector<16xf32>
        %swap3A_657 = vector.shape_cast %get3A_648 : vector<16xf32> to vector<1x16xf32>
        tpu.vector_store %swap3A_652[%swap3A_653, %swap3A_654], %swap3A_657 {strides = array<i32>} : memref<200x64xf32, #tpu.memory_space<vmem>>, vector<1x16xf32>,
        %mul3A_658 = arith.constant 8 : i32
        %mul3A_659 = arith.muli %scan3A_155, %mul3A_658 : i32
        %add3A_660 = arith.constant 7 : i32
        %add3A_661 = arith.addi %mul3A_659, %add3A_660 : i32
        %get3A_662 = arith.constant 0 : i32
        %get3A_663 = arith.constant 0 : i32
        %get3A_664 = tpu.memref_slice %arg6[%scan3A_127, %get3A_662, %get3A_663] : memref<2x200x128xf32, #tpu.memory_space<vmem>> -> memref<1x200x128xf32, #tpu.memory_space<vmem>>
        %get3A_665 = tpu.memref_squeeze %get3A_664 : memref<1x200x128xf32, #tpu.memory_space<vmem>> -> memref<200x128xf32, #tpu.memory_space<vmem>>
        %get3A_666 = arith.index_cast %add3A_661 : i32 to index
        %get3A_667 = arith.constant 0 : index
        %get3A_668 = tpu.vector_load %get3A_665[%get3A_666, %get3A_667] {strides = array<i32>} : memref<200x128xf32, #tpu.memory_space<vmem>>, vector<1x16xf32>,
        %get3A_669 = vector.shape_cast %get3A_668 : vector<1x16xf32> to vector<16xf32>
        %swap3A_670 = arith.constant 0 : i32
        %swap3A_671 = arith.constant 0 : i32
        %swap3A_672 = tpu.memref_slice %arg7[%scan3A_128, %swap3A_670, %swap3A_671] : memref<2x200x64xf32, #tpu.memory_space<vmem>> -> memref<1x200x64xf32, #tpu.memory_space<vmem>>
        %swap3A_673 = tpu.memref_squeeze %swap3A_672 : memref<1x200x64xf32, #tpu.memory_space<vmem>> -> memref<200x64xf32, #tpu.memory_space<vmem>>
        %swap3A_674 = arith.index_cast %add3A_661 : i32 to index
        %swap3A_675 = arith.constant 0 : index
        %swap3A_676 = tpu.vector_load %swap3A_673[%swap3A_674, %swap3A_675] {strides = array<i32>} : memref<200x64xf32, #tpu.memory_space<vmem>>, vector<1x16xf32>,
        %swap3A_677 = vector.shape_cast %swap3A_676 : vector<1x16xf32> to vector<16xf32>
        %swap3A_678 = vector.shape_cast %get3A_669 : vector<16xf32> to vector<1x16xf32>
        tpu.vector_store %swap3A_673[%swap3A_674, %swap3A_675], %swap3A_678 {strides = array<i32>} : memref<200x64xf32, #tpu.memory_space<vmem>>, vector<1x16xf32>,
        %get3A_679 = arith.constant 0 : i32
        %get3A_680 = arith.constant 0 : i32
        %get3A_681 = tpu.memref_slice %arg6[%scan3A_127, %get3A_679, %get3A_680] : memref<2x200x128xf32, #tpu.memory_space<vmem>> -> memref<1x200x128xf32, #tpu.memory_space<vmem>>
        %get3A_682 = tpu.memref_squeeze %get3A_681 : memref<1x200x128xf32, #tpu.memory_space<vmem>> -> memref<200x128xf32, #tpu.memory_space<vmem>>
        %get3A_683 = arith.index_cast %add3A_661 : i32 to index
        %get3A_684 = arith.constant 16 : index
        %get3A_685 = tpu.vector_load %get3A_682[%get3A_683, %get3A_684] {strides = array<i32>} : memref<200x128xf32, #tpu.memory_space<vmem>>, vector<1x16xf32>,
        %get3A_686 = vector.shape_cast %get3A_685 : vector<1x16xf32> to vector<16xf32>
        %swap3A_687 = arith.constant 0 : i32
        %swap3A_688 = arith.constant 0 : i32
        %swap3A_689 = tpu.memref_slice %arg7[%scan3A_128, %swap3A_687, %swap3A_688] : memref<2x200x64xf32, #tpu.memory_space<vmem>> -> memref<1x200x64xf32, #tpu.memory_space<vmem>>
        %swap3A_690 = tpu.memref_squeeze %swap3A_689 : memref<1x200x64xf32, #tpu.memory_space<vmem>> -> memref<200x64xf32, #tpu.memory_space<vmem>>
        %swap3A_691 = arith.index_cast %add3A_661 : i32 to index
        %swap3A_692 = arith.constant 16 : index
        %swap3A_693 = tpu.vector_load %swap3A_690[%swap3A_691, %swap3A_692] {strides = array<i32>} : memref<200x64xf32, #tpu.memory_space<vmem>>, vector<1x16xf32>,
        %swap3A_694 = vector.shape_cast %swap3A_693 : vector<1x16xf32> to vector<16xf32>
        %swap3A_695 = vector.shape_cast %get3A_686 : vector<16xf32> to vector<1x16xf32>
        tpu.vector_store %swap3A_690[%swap3A_691, %swap3A_692], %swap3A_695 {strides = array<i32>} : memref<200x64xf32, #tpu.memory_space<vmem>>, vector<1x16xf32>,
        %get3A_696 = arith.constant 0 : i32
        %get3A_697 = arith.constant 0 : i32
        %get3A_698 = tpu.memref_slice %arg6[%scan3A_127, %get3A_696, %get3A_697] : memref<2x200x128xf32, #tpu.memory_space<vmem>> -> memref<1x200x128xf32, #tpu.memory_space<vmem>>
        %get3A_699 = tpu.memref_squeeze %get3A_698 : memref<1x200x128xf32, #tpu.memory_space<vmem>> -> memref<200x128xf32, #tpu.memory_space<vmem>>
        %get3A_700 = arith.index_cast %add3A_661 : i32 to index
        %get3A_701 = arith.constant 32 : index
        %get3A_702 = tpu.vector_load %get3A_699[%get3A_700, %get3A_701] {strides = array<i32>} : memref<200x128xf32, #tpu.memory_space<vmem>>, vector<1x16xf32>,
        %get3A_703 = vector.shape_cast %get3A_702 : vector<1x16xf32> to vector<16xf32>
        %swap3A_704 = arith.constant 0 : i32
        %swap3A_705 = arith.constant 0 : i32
        %swap3A_706 = tpu.memref_slice %arg7[%scan3A_128, %swap3A_704, %swap3A_705] : memref<2x200x64xf32, #tpu.memory_space<vmem>> -> memref<1x200x64xf32, #tpu.memory_space<vmem>>
        %swap3A_707 = tpu.memref_squeeze %swap3A_706 : memref<1x200x64xf32, #tpu.memory_space<vmem>> -> memref<200x64xf32, #tpu.memory_space<vmem>>
        %swap3A_708 = arith.index_cast %add3A_661 : i32 to index
        %swap3A_709 = arith.constant 32 : index
        %swap3A_710 = tpu.vector_load %swap3A_707[%swap3A_708, %swap3A_709] {strides = array<i32>} : memref<200x64xf32, #tpu.memory_space<vmem>>, vector<1x16xf32>,
        %swap3A_711 = vector.shape_cast %swap3A_710 : vector<1x16xf32> to vector<16xf32>
        %swap3A_712 = vector.shape_cast %get3A_703 : vector<16xf32> to vector<1x16xf32>
        tpu.vector_store %swap3A_707[%swap3A_708, %swap3A_709], %swap3A_712 {strides = array<i32>} : memref<200x64xf32, #tpu.memory_space<vmem>>, vector<1x16xf32>,
        %get3A_713 = arith.constant 0 : i32
        %get3A_714 = arith.constant 0 : i32
        %get3A_715 = tpu.memref_slice %arg6[%scan3A_127, %get3A_713, %get3A_714] : memref<2x200x128xf32, #tpu.memory_space<vmem>> -> memref<1x200x128xf32, #tpu.memory_space<vmem>>
        %get3A_716 = tpu.memref_squeeze %get3A_715 : memref<1x200x128xf32, #tpu.memory_space<vmem>> -> memref<200x128xf32, #tpu.memory_space<vmem>>
        %get3A_717 = arith.index_cast %add3A_661 : i32 to index
        %get3A_718 = arith.constant 48 : index
        %get3A_719 = tpu.vector_load %get3A_716[%get3A_717, %get3A_718] {strides = array<i32>} : memref<200x128xf32, #tpu.memory_space<vmem>>, vector<1x16xf32>,
        %get3A_720 = vector.shape_cast %get3A_719 : vector<1x16xf32> to vector<16xf32>
        %swap3A_721 = arith.constant 0 : i32
        %swap3A_722 = arith.constant 0 : i32
        %swap3A_723 = tpu.memref_slice %arg7[%scan3A_128, %swap3A_721, %swap3A_722] : memref<2x200x64xf32, #tpu.memory_space<vmem>> -> memref<1x200x64xf32, #tpu.memory_space<vmem>>
        %swap3A_724 = tpu.memref_squeeze %swap3A_723 : memref<1x200x64xf32, #tpu.memory_space<vmem>> -> memref<200x64xf32, #tpu.memory_space<vmem>>
        %swap3A_725 = arith.index_cast %add3A_661 : i32 to index
        %swap3A_726 = arith.constant 48 : index
        %swap3A_727 = tpu.vector_load %swap3A_724[%swap3A_725, %swap3A_726] {strides = array<i32>} : memref<200x64xf32, #tpu.memory_space<vmem>>, vector<1x16xf32>,
        %swap3A_728 = vector.shape_cast %swap3A_727 : vector<1x16xf32> to vector<16xf32>
        %swap3A_729 = vector.shape_cast %get3A_720 : vector<16xf32> to vector<1x16xf32>
        tpu.vector_store %swap3A_724[%swap3A_725, %swap3A_726], %swap3A_729 {strides = array<i32>} : memref<200x64xf32, #tpu.memory_space<vmem>>, vector<1x16xf32>,
      }
      %scan3A_133 = arith.constant 25 : i32
      %lt3A_134 = arith.constant 63 : i32
      %lt3A_135 = arith.cmpi slt, %scan3A_52, %lt3A_134 : i32
      %convert_element_type3A_136 = arith.extui %lt3A_135 : i1 to i32
      %cond3A_137 = arith.constant 0 : i32
      %cond3A_138 = arith.cmpi ne, %convert_element_type3A_136, %cond3A_137 : i32
      scf.if %cond3A_138 {
        %add3A_155 = arith.constant 2 : i32
        %add3A_156 = arith.addi %add3A_105, %add3A_155 : i32
        %mul3A_157 = arith.constant 200 : i32
        %mul3A_158 = arith.muli %add3A_156, %mul3A_157 : i32
        %dma_start3A_159 = arith.constant 1 : i32
        %dma_start3A_160 = arith.constant 0 : i32
        %dma_start3A_161 = arith.constant 0 : i32
        %dma_start3A_162 = tpu.memref_slice %arg6[%dma_start3A_159, %dma_start3A_160, %dma_start3A_161] : memref<2x200x128xf32, #tpu.memory_space<vmem>> -> memref<1x200x128xf32, #tpu.memory_space<vmem>>
        %dma_start3A_163 = tpu.memref_squeeze %dma_start3A_162 : memref<1x200x128xf32, #tpu.memory_space<vmem>> -> memref<200x128xf32, #tpu.memory_space<vmem>>
        %dma_start3A_164 = tpu.memref_slice %arg5[%mul3A_158] : memref<25600xi32, #tpu.memory_space<vmem>> -> memref<200xi32, #tpu.memory_space<vmem>>
        %dma_start3A_165 = arith.constant 0 : i32
        %dma_start3A_166 = arith.constant 0 : i32
        %dma_start3A_167 = tpu.memref_slice %arg3[%dma_start3A_165, %dma_start3A_166] : memref<1000000x128xf32, #tpu.memory_space<hbm>> -> memref<1000000x128xf32, #tpu.memory_space<hbm>>
        tpu.enqueue_indirect_dma source(%dma_start3A_167 : memref<1000000x128xf32, #tpu.memory_space<hbm>>) target(%dma_start3A_163 : memref<200x128xf32, #tpu.memory_space<vmem>>) offsets(%dma_start3A_164 : memref<200xi32, #tpu.memory_space<vmem>>) semaphore(%arg9 : memref<!tpu.dma_semaphore, #tpu.memory_space<semaphore_mem>>)
      } else {
      }
      %mul3A_139 = arith.constant 200 : i32
      %mul3A_140 = arith.muli %add3A_105, %mul3A_139 : i32
      %add3A_141 = arith.addi %mul3A_2, %mul3A_140 : i32
      %dma_start3A_142 = arith.constant 1 : i32
      %dma_start3A_143 = arith.constant 0 : i32
      %dma_start3A_144 = arith.constant 0 : i32
      %dma_start3A_145 = tpu.memref_slice %arg7[%dma_start3A_142, %dma_start3A_143, %dma_start3A_144] : memref<2x200x64xf32, #tpu.memory_space<vmem>> -> memref<1x200x64xf32, #tpu.memory_space<vmem>>
      %dma_start3A_146 = tpu.memref_squeeze %dma_start3A_145 : memref<1x200x64xf32, #tpu.memory_space<vmem>> -> memref<200x64xf32, #tpu.memory_space<vmem>>
      %dma_start3A_147 = arith.constant 0 : i32
      %dma_start3A_148 = tpu.memref_slice %arg4[%add3A_141, %dma_start3A_147] : memref<819200x64xf32, #tpu.memory_space<hbm>> -> memref<200x64xf32, #tpu.memory_space<hbm>>
      %dma_start3A_149 = arith.constant 0 : i32
      %dma_start3A_150 = tpu.memref_slice %arg4[%add3A_141, %dma_start3A_149] : memref<819200x64xf32, #tpu.memory_space<hbm>> -> memref<200x64xf32, #tpu.memory_space<hbm>>
      %dma_start3A_151 = arith.constant 0 : i32
      %dma_start3A_152 = arith.constant 0 : i32
      %dma_start3A_153 = tpu.memref_slice %arg7[%dma_start3A_142, %dma_start3A_151, %dma_start3A_152] : memref<2x200x64xf32, #tpu.memory_space<vmem>> -> memref<1x200x64xf32, #tpu.memory_space<vmem>>
      %dma_start3A_154 = tpu.memref_squeeze %dma_start3A_153 : memref<1x200x64xf32, #tpu.memory_space<vmem>> -> memref<200x64xf32, #tpu.memory_space<vmem>>
      tpu.enqueue_dma source(%dma_start3A_154 : memref<200x64xf32, #tpu.memory_space<vmem>>) target(%dma_start3A_150 : memref<200x64xf32, #tpu.memory_space<hbm>>) target_semaphore(%arg11 : memref<!tpu.dma_semaphore, #tpu.memory_space<semaphore_mem>>)
    }
    %scan3A_26 = arith.constant 64 : i32
    %dma_wait3A = arith.constant 0 : i32
    %dma_wait3A_27 = arith.constant 0 : i32
    %dma_wait3A_28 = arith.constant 0 : i32
    %dma_wait3A_29 = tpu.memref_slice %arg7[%dma_wait3A, %dma_wait3A_27, %dma_wait3A_28] : memref<2x200x64xf32, #tpu.memory_space<vmem>> -> memref<1x200x64xf32, #tpu.memory_space<vmem>>
    %dma_wait3A_30 = tpu.memref_squeeze %dma_wait3A_29 : memref<1x200x64xf32, #tpu.memory_space<vmem>> -> memref<200x64xf32, #tpu.memory_space<vmem>>
    %dma_wait3A_31 = arith.constant 0 : i32
    %dma_wait3A_32 = tpu.memref_slice %arg4[%mul3A_2, %dma_wait3A_31] : memref<819200x64xf32, #tpu.memory_space<hbm>> -> memref<200x64xf32, #tpu.memory_space<hbm>>
    %dma_wait3A_33 = arith.constant 0 : i32
    %dma_wait3A_34 = tpu.memref_slice %arg4[%mul3A_2, %dma_wait3A_33] : memref<819200x64xf32, #tpu.memory_space<hbm>> -> memref<200x64xf32, #tpu.memory_space<hbm>>
    %dma_wait3A_35 = arith.constant 0 : i32
    %dma_wait3A_36 = arith.constant 0 : i32
    %dma_wait3A_37 = tpu.memref_slice %arg7[%dma_wait3A, %dma_wait3A_35, %dma_wait3A_36] : memref<2x200x64xf32, #tpu.memory_space<vmem>> -> memref<1x200x64xf32, #tpu.memory_space<vmem>>
    %dma_wait3A_38 = tpu.memref_squeeze %dma_wait3A_37 : memref<1x200x64xf32, #tpu.memory_space<vmem>> -> memref<200x64xf32, #tpu.memory_space<vmem>>
    tpu.wait_dma2 semaphore(%arg10 : memref<!tpu.dma_semaphore, #tpu.memory_space<semaphore_mem>>) src(%dma_wait3A_38 : memref<200x64xf32, #tpu.memory_space<vmem>>) dst(%dma_wait3A_34 : memref<200x64xf32, #tpu.memory_space<hbm>>)
    %dma_wait3A_39 = arith.constant 1 : i32
    %dma_wait3A_40 = arith.constant 0 : i32
    %dma_wait3A_41 = arith.constant 0 : i32
    %dma_wait3A_42 = tpu.memref_slice %arg7[%dma_wait3A_39, %dma_wait3A_40, %dma_wait3A_41] : memref<2x200x64xf32, #tpu.memory_space<vmem>> -> memref<1x200x64xf32, #tpu.memory_space<vmem>>
    %dma_wait3A_43 = tpu.memref_squeeze %dma_wait3A_42 : memref<1x200x64xf32, #tpu.memory_space<vmem>> -> memref<200x64xf32, #tpu.memory_space<vmem>>
    %dma_wait3A_44 = arith.constant 0 : i32
    %dma_wait3A_45 = tpu.memref_slice %arg4[%mul3A_2, %dma_wait3A_44] : memref<819200x64xf32, #tpu.memory_space<hbm>> -> memref<200x64xf32, #tpu.memory_space<hbm>>
    %dma_wait3A_46 = arith.constant 0 : i32
    %dma_wait3A_47 = tpu.memref_slice %arg4[%mul3A_2, %dma_wait3A_46] : memref<819200x64xf32, #tpu.memory_space<hbm>> -> memref<200x64xf32, #tpu.memory_space<hbm>>
    %dma_wait3A_48 = arith.constant 0 : i32
    %dma_wait3A_49 = arith.constant 0 : i32
    %dma_wait3A_50 = tpu.memref_slice %arg7[%dma_wait3A_39, %dma_wait3A_48, %dma_wait3A_49] : memref<2x200x64xf32, #tpu.memory_space<vmem>> -> memref<1x200x64xf32, #tpu.memory_space<vmem>>
    %dma_wait3A_51 = tpu.memref_squeeze %dma_wait3A_50 : memref<1x200x64xf32, #tpu.memory_space<vmem>> -> memref<200x64xf32, #tpu.memory_space<vmem>>
    tpu.wait_dma2 semaphore(%arg11 : memref<!tpu.dma_semaphore, #tpu.memory_space<semaphore_mem>>) src(%dma_wait3A_51 : memref<200x64xf32, #tpu.memory_space<vmem>>) dst(%dma_wait3A_47 : memref<200x64xf32, #tpu.memory_space<hbm>>)
    return
  }
}

</mosaic_0001>

<sc_bundles>
// kernel: kernel.3.cloned.1.call-start
scs
__scs_entry_jumppad:
0x0: {  	(pc) =	sbr.rel $0x88, $3  }
0x1: {  	(tag) =	ssettag $0x0;
	lr =	simm.s32 $0x1  }
0x2: {  	[smem:$0x3F9F] =	sst lr;
	_ =	strace $0xD0000000  }
0x3: {  	_ = 	snop  }
0x4: {  	_ = 	snop  }
0x5: {  	_ = 	snop  }
0x6: {  	_ = 	snop  }
0x7: {  	_ = 	snop  }
__scs_overlays_trampoline_lowered:
0x8: {  	[smem:$0x3FAE] =	sst s0  }
0x9: {  	[smem:$0x3FAF] =	sst s1  }
0xa: {  	[smem:$0x3FB0] =	sst s2  }
0xb: {  	[smem:$0x3FB1] =	sst s3  }
0xc: {  	[smem:$0x3FB2] =	sst s4  }
0xd: {  	[smem:$0x3FB3] =	sst s5  }
0xe: {  	[smem:$0x3FB4] =	sst s6  }
0xf: {  	[smem:$0x3FB5] =	sst s7  }
0x10: {  	[smem:$0x3FB6] =	sst s8  }
0x11: {  	[smem:$0x3FB7] =	sst s9;
	s0 =	simm.s32 @!p0 $0x0  }
0x12: {  	s1 =	sld [smem:$0x3F9D];
	s0 =	simm.s32 @p0 $0x1  }
0x13: {  	[smem:$0x3FB8] =	sst s0;
	s0 =	simm.s32 @!p1 $0x0  }
0x14: {  	s2 =	sld [smem:$0x3F9C];
	s0 =	simm.s32 @p1 $0x1  }
0x15: {  	[smem:$0x3FB9] =	sst s0;
	s0 =	simm.s32 @!p2 $0x0  }
0x16: {  	s3 =	sld [smem:$0x3FDB];
	s0 =	simm.s32 @p2 $0x1  }
0x17: {  	s4 =	simm.s32 $0x1BF5;
	[smem:$0x3FBB] =	sst s0  }
0x18: {  	s0 =	sld [smem:$0x3F9E];
	_ =	swait.ge [sflag:s4], $0x0  }
0x19: {  	s7 =	sld [smem:$0x3F9F]  }
0x1a: {  	s8 =	sadd.s32 $0xFFFFE003, lr  }
0x1b: {  	s9 =	sadd.s32 $0xFFFFFEF7, lr;
	s5 =	simm.s32 $0xFFFFFFFF;
	p2 =	slt.u32 s8, $0xFFFFF086  }
0x1c: {  	p1 =	slt.u32 s9, $0xF7A;
	s5 =	simm.s32 @!p2 $0x0  }
0x1d: {  	s5 =	simm.s32 @p1 $0x1;
	p0 =	seq.s32 s7, s2  }
0x1e: {  	s7 =	smul.u32 @!p0 $0xF7A, s2;
	p2 =	seq.s32 @!p0 s5, $0x0  }
0x1f: {  	s9 =	smul.u32 $0xF7A, s1;
	s8 =	simm.s32 @!p0 $0x1BF5;
	p2 =	por !p2, p0  }
0x20: {  	[sflag:s8] =	ssyncset.s32 @!p0 $0xFFFFF086;
	s6 =	sadd.s32 @!p0 s3, s7;
	s7 =	simm.s32 @!p0 $0x108  }
0x21: {  	s3 =	sadd.s32 s3, s9;
	s6 =	sadd.s32 @!p0 $0x88, s6;
	s7 =	simm.s32 @p2 $0x1082  }
0x22: {  	[simem:s7], [sflag:s8] =	dma.local @!p0 [hbm:s6], $0xF7A  }
0x23: {  	s9 =	sor.u32 $0xD0000000, s2;
	s6 =	simm.s32 $0x108;
	_ =	swait.ge @!p0 [sflag:s8], $0x0  }
0x24: {  	s3 =	sadd.s32 $0x88, s3;
	s6 =	simm.s32 @!p1 $0x1082;
	[sflag:s4] =	ssyncset.s32 $0xFFFFF086  }
0x25: {  	[simem:s6], [sflag:s4] =	dma.local [hbm:s3], $0xF7A  }
0x26: {  	[smem:$0x3F9F] =	sst s1;
	(tag) =	ssettag s2;
	_ =	strace s9  }
0x27: {  	s1 =	sld [smem:$0x3FAF]  }
0x28: {  	s2 =	sld [smem:$0x3FB0]  }
0x29: {  	s4 =	sld [smem:$0x3FB2]  }
0x2a: {  	p0 =	seq.s32 s5, $0x0;
	s5 =	sld [smem:$0x3FB3]  }
0x2b: {  	s6 =	sld [smem:$0x3FB4]  }
0x2c: {  	s7 =	sld [smem:$0x3FB5]  }
0x2d: {  	s3 =	simm.s32 $0x108;
	s8 =	sld [smem:$0x3FB6]  }
0x2e: {  	s3 =	simm.s32 @!p0 $0x1082;
	s9 =	sld [smem:$0x3FB7]  }
0x2f: {  	lr =	sadd.s32 s0, s3;
	s0 =	sld [smem:$0x3FAE]  }
0x30: {  	s3 =	sld [smem:$0x3FB1]  }
0x31: {  	[smem:$0x3FBA] =	sst s10  }
0x32: {  	s10 =	sld [smem:$0x3FB8];
	_ =	sdelay $0x3  }
0x33: {  	p0 =	seq.s32 s10, $0x1;
	s10 =	sld [smem:$0x3FBA];
	_ =	sdelay $0x3  }
0x34: {  	[smem:$0x3FBA] =	sst s10  }
0x35: {  	s10 =	sld [smem:$0x3FB9];
	_ =	sdelay $0x3  }
0x36: {  	p1 =	seq.s32 s10, $0x1;
	s10 =	sld [smem:$0x3FBA];
	_ =	sdelay $0x3  }
0x37: {  	[smem:$0x3FBA] =	sst s10  }
0x38: {  	s10 =	sld [smem:$0x3FBB]  }
0x39: {  	_ = 	snop;
	(pc) =	sbr.ind lr, $3  }
0x3a: {  	_ = 	snop  }
0x3b: {  	_ = 	snop  }
0x3c: {  	p2 =	seq.s32 s10, $0x1;
	s10 =	sld [smem:$0x3FBA]  }
0x3d: {  	_ =	shalt  }
0x3e: {  	_ =	shalt  }
0x3f: {  	_ =	shalt  }
0x40: {  	_ =	shalt  }
0x41: {  	_ =	shalt  }
0x42: {  	_ =	shalt  }
0x43: {  	_ =	shalt  }
0x44: {  	_ =	shalt  }
0x45: {  	_ =	shalt  }
0x46: {  	_ =	shalt  }
0x47: {  	_ =	shalt  }
0x48: {  	_ =	shalt  }
0x49: {  	_ =	shalt  }
0x4a: {  	_ =	shalt  }
0x4b: {  	_ =	shalt  }
0x4c: {  	_ =	shalt  }
0x4d: {  	_ =	shalt  }
0x4e: {  	_ =	shalt  }
0x4f: {  	_ =	shalt  }
0x50: {  	_ =	shalt  }
0x51: {  	_ =	shalt  }
0x52: {  	_ =	shalt  }
0x53: {  	_ =	shalt  }
0x54: {  	_ =	shalt  }
0x55: {  	_ =	shalt  }
0x56: {  	_ =	shalt  }
0x57: {  	_ =	shalt  }
0x58: {  	_ =	shalt  }
0x59: {  	_ =	shalt  }
0x5a: {  	_ =	shalt  }
0x5b: {  	_ =	shalt  }
0x5c: {  	_ =	shalt  }
0x5d: {  	_ =	shalt  }
0x5e: {  	_ =	shalt  }
0x5f: {  	_ =	shalt  }
0x60: {  	_ =	shalt  }
0x61: {  	_ =	shalt  }
0x62: {  	_ =	shalt  }
0x63: {  	_ =	shalt  }
0x64: {  	_ =	shalt  }
0x65: {  	_ =	shalt  }
0x66: {  	_ =	shalt  }
0x67: {  	_ =	shalt  }
0x68: {  	_ =	shalt  }
0x69: {  	_ =	shalt  }
0x6a: {  	_ =	shalt  }
0x6b: {  	_ =	shalt  }
0x6c: {  	_ =	shalt  }
0x6d: {  	_ =	shalt  }
0x6e: {  	_ =	shalt  }
0x6f: {  	_ =	shalt  }
0x70: {  	_ =	shalt  }
0x71: {  	_ =	shalt  }
0x72: {  	_ =	shalt  }
0x73: {  	_ =	shalt  }
0x74: {  	_ =	shalt  }
0x75: {  	_ =	shalt  }
0x76: {  	_ =	shalt  }
0x77: {  	_ =	shalt  }
0x78: {  	_ =	shalt  }
0x79: {  	_ =	shalt  }
0x7a: {  	_ =	shalt  }
0x7b: {  	_ =	shalt  }
0x7c: {  	_ =	shalt  }
0x7d: {  	_ =	shalt  }
0x7e: {  	_ =	shalt  }
0x7f: {  	_ =	shalt  }
0x80: {  	_ =	shalt  }
0x81: {  	_ =	shalt  }
0x82: {  	_ =	shalt  }
0x83: {  	_ =	shalt  }
0x84: {  	_ =	shalt  }
0x85: {  	_ =	shalt  }
0x86: {  	_ =	shalt  }
0x87: {  	_ =	shalt  }
.Lfunc_end0:
.L_simem_size_0:
called_computation.1_lowered:
.L_overlay_start_0:
0x88: {  	s2 =	sld [smem:$0x3FD9]  }
0x89: {  	s3 =	sld [smem:$0x3FFE];
	_ =	sdelay $0x1  }
0x8a: {  	s1 =	srdreg.scid  }
0x8b: {  	s0 =	sand.u32 $0x1, s1  }
0x8c: {  	s17 =	sshll.u32 s0, $0xA;
	s2 =	sadd.s32 s3, s2  }
0x8d: {  	s2 =	sadd.s32 s2, s17  }
0x8e: {  	[smem:$0x3FC6] =	sst s2  }
0x8f: {  	_ = 	snop  }
0x90: {  	s2 =	sld [smem:$0x3FD0];
	(tm) =	ssettm $0x1  }
0x91: {  	s18 =	sld [smem:$0x3FFB];
	_ =	sdelay $0x3  }
0x92: {  	_ =	strace s18  }
0x93: {  	s3 =	sld [smem:$0x3FFC];
	_ =	sdelay $0x3  }
0x94: {  	_ =	strace s3  }
0x95: {  	s3 =	sld [smem:$0x3FFD];
	_ =	sdelay $0x3  }
0x96: {  	_ =	strace s3  }
0x97: {  	_ =	strace $0x8FFFFFFF  }
0x98: {  	s19 =	sld [smem:$0x3FDB];
	_ =	sdelay $0x1  }
0x99: {  	s4 =	simm.s32 $_scs_section_size  }
0x9a: {  	s5 =	simm.s32 $_size__tile_overlayer_lowered;
	s6 =	simm.s32 $_tile_overlayer_lowered  }
0x9b: {  	s22 =	simm.s32 $0x1BFF;
	s21 =	sshll.u32 s6, $0x1;
	s3 =	sadd.s32 s4, s19  }
0x9c: {  	s7 =	simm.s32 $0x0;
	s20 =	sshll.u32 s5, $0x1;
	s5 =	sadd.s32 s21, s3  }
0x9d: {  	[timem:s7], [sflag:s22] =	dma.local [hbm:s5], s20  }
0x9e: {  	_ =	swait.ge [sflag:s22], s20  }
0x9f: {  	s4 =	ssub.s32 $0x0, s20;
	[sflag:s22] =	ssyncset.done $0x0  }
0xa0: {  	[sflag:s22] =	ssyncadd.s32 s4;
	_ =	sdelay $0x1  }
0xa1: {  	s23 =	simm.s32 $0x1B8B  }
0xa2: {  	_ =	swait.ge [sflag:s23], $0x1  }
0xa3: {  	[sflag:s23] =	ssyncset.done $0x0  }
0xa4: {  	s25 =	simm.s32 $0x1B8E;
	s24 =	sld [smem:$0x3FFE];
	[sflag:s23] =	ssyncadd.s32 $0xFFFFFFFF  }
0xa5: {  	s26 =	simm.s32 $execute0_lowered;
	[smem:$0x3FD2] =	sst s25  }
0xa6: {  	s5 =	sshll.u32 s26, $0x1;
	_ =	strace $0x80000046;
	[dreg:$0x1] =	wrdreg $0xFFFFFFFF  }
0xa7: {  	s28 =	simm.s32 $_size_execute0_lowered;
	s3 =	sadd.s32 s3, s5;
	[dreg:$0x0] =	wrdreg $0x0  }
0xa8: {  	s5 =	sshll.u32 s28, $0x1;
	[dreg:$0x2] =	wrdreg s3  }
0xa9: {  	[dreg:$0x3] =	wrdreg s5  }
0xaa: {  	[dreg:$0x4] =	wrdreg $0xC0  }
0xab: {  	_ =	task [dreg:s7], $0x5FFFF  }
0xac: {  	[dreg:$0x1] =	wrdreg $0xFFFFFFFF  }
0xad: {  	[dreg:$0x0] =	wrdreg $0x60  }
0xae: {  	[dreg:$0x2] =	wrdreg s2  }
0xaf: {  	[dreg:$0x3] =	wrdreg s24  }
0xb0: {  	[dreg:$0x4] =	wrdreg $0x9  }
0xb1: {  	_ =	task.clear_ibuf [dreg:s7], $0x5FFFF;
	_ =	strace $0x90000046  }
0xb2: {  	s29 =	simm.s32 $0x9;
	_ =	strace $0x80000048  }
0xb3: {  	_ =	swait.ge [sflag:s29], $0x1  }
0xb4: {  	[sflag:s29] =	ssyncadd.s32 $0xFFFFFFFF  }
0xb5: {  	_ =	strace $0x90000048  }
0xb6: {  	_ =	sfence  }
0xb7: {  	s30 =	sld [smem:$0x0];
	_ =	sdelay $0x2  }
0xb8: {  	s31 =	sshll.u32 s1, $0xD;
	s1 =	sshrl.u32 s1, $0x2  }
0xb9: {  	s3 =	sand.u32 $0x4000, s31;
	s1 =	sadd.s32 s1, s30  }
0xba: {  	s0 =	sor.u32 s3, s0;
	s1 =	sshll.u32 s1, $0x11  }
0xbb: {  	s0 =	sor.u32 s1, s0  }
0xbc: {  	s0 =	sadd.s32 $0x8F2B, s0  }
0xbd: {  	[sflag:s0] =	ssyncadd.remote.s32 $0x1  }
0xbe: {  	_ =	sfence.sel $0xFFFF  }
0xbf: {  	[dreg:$0x0] =	wrdreg $0xFFFFFFFF;
	(pc) =	sbr.abs _section_cstart, $3  }
0xc0: {  	[dreg:$0x1] =	wrdreg $0xFFFFFFFF  }
0xc1: {  	_ =	task.clear_ibuf [dreg:s7], $0x2FFFF;
	_ =	strace $0x9FFFFFFF  }
0xc2: {  	(tm) =	ssettm $0x7FFFFFFF  }
0xc3: {  	_ =	shalt  }
tec
execute0_lowered:
.L_overlay_start_1:
0x0: {  	(tag) =	ssettag $0x1  }
0x1: {  	s6 =	rddreg [dreg:$0x0];
	s1 =	srdreg.scid  }
0x2: {  	s0 =	stileid.u32;
	s5 =	rddreg [dreg:$0x1];
	s2 =	simm.s32 $0x0  }
0x3: {  	s10 =	simm.s32 $0xC8;
	s11 =	simm.s32 $0x6400;
	s12 =	simm.s32 $0xC800  }
0x4: {  	s13 =	simm.s32 $0x1;
	s14 =	simm.s32 $0x12C00;
	s15 =	simm.s32 $0x2  }
0x5: {  	s16 =	simm.s32 $0x19000;
	s17 =	simm.s32 $0x3;
	s18 =	simm.s32 $0x4  }
0x6: {  	s7 =	sand.u32 $0x1, s1;
	s3 =	sshll.u32 s0, $0x1;
	s1 =	rddreg [dreg:$0x2]  }
0x7: {  	s19 =	simm.s32 $0x0;
	[smem:$0x7FF] =	sst s2;
	s3 =	sor.u32 s7, s3  }
0x8: {  	s4 =	sadd.s32 $0xF42E00, s5;
	s7 =	ssub.s32 $0x2, s7;
	s3 =	smul.u32 $0x6400, s3  }
0x9: {  	s5 =	sadd.s32 $0xA00, s5;
	_ =	strace $0x80000047;
	s8 =	sshrl.u32 s7, $0x1  }
0xa: {  	s8 =	ssub.s32 s7, s8;
	s9 =	sshrl.u32 s3, $0x3;
	s7 =	sor.u32 $0xC8, s3  }
0xb: {  	s8 =	smax.u32 s8, $0x1;
	s6 =	sadd.s32 s6, s9;
	s9 =	simm.s32 $0x5  }
.LBB2_1:
0xc: {  	[tilespmem:s2], [sflag:$0x5] =	stream.linear.gather [hbm4b:s6+s2], $0x6400, $0x38;
	[tilespmem:$0x1F400] =	vst v63  }
0xd: {  	_ =	swait.ge [sflag:s9], $0x6400  }
0xe: {  	[sflag:s9] =	ssyncset.done $0x0  }
0xf: {  	[sflag:s9] =	ssyncadd.s32 $0xFFFF9C00  }
0x10: {  	[tilespmem:s11], [sflag:$0x1] =	stream.indirect.gather [hbm4b:s4+s10], $0x80, s2, s10, $0xb8;
	[tilespmem:$0x1F400] =	vst v63  }
0x11: {  	s20 =	simm.s32 $0x0  }
0x12: {  	[tilespmem:s12], [sflag:$0x2] =	stream.indirect.gather [hbm4b:s4+s10], $0x80, s10, s10, $0xb8;
	[tilespmem:$0x1F400] =	vst v63  }
.LBB2_2:
0x13: {  	_ =	swait.ge [sflag:s13], $0x6400  }
0x14: {  	p1 =	seq.s32 s20, $0x0;
	[sflag:s13] =	ssyncset.done $0x0  }
0x15: {  	s21 =	simm.s32 @!p1 $0x3;
	[sflag:s13] =	ssyncadd.s32 $0xFFFF9C00  }
0x16: {  	_ =	swait.ge @!p1 [sflag:s21], $0x6400  }
0x17: {  	[sflag:s21] =	ssyncset.done @!p1 $0x0  }
0x18: {  	[sflag:s21] =	ssyncadd.s32 @!p1 $0xFFFF9C00;
	s21 =	simm.s32 $0x0  }
0x19: {  	v0 =	vld [tilespmem:s21+$0x67B0]  }
0x1a: {  	v1 =	vld [tilespmem:s21+$0x6400]  }
0x1b: {  	v2 =	vld [tilespmem:s21+$0x6410]  }
0x1c: {  	v3 =	vld [tilespmem:s21+$0x6420]  }
0x1d: {  	v4 =	vld [tilespmem:s21+$0x6430]  }
0x1e: {  	v5 =	vld [tilespmem:s21+$0x6480];
	[tilespmem:s21+$0x12FB0] =	vst v0  }
0x1f: {  	[tilespmem:s21+$0x12C00] =	vst v1;
	v0 =	vld [tilespmem:s21+$0x6490]  }
0x20: {  	[tilespmem:s21+$0x12C10] =	vst v2;
	v1 =	vld [tilespmem:s21+$0x64A0]  }
0x21: {  	[tilespmem:s21+$0x12C20] =	vst v3;
	v2 =	vld [tilespmem:s21+$0x64B0]  }
0x22: {  	[tilespmem:s21+$0x12C30] =	vst v4;
	v3 =	vld [tilespmem:s21+$0x6500]  }
0x23: {  	[tilespmem:s21+$0x12C80] =	vst v5;
	v4 =	vld [tilespmem:s21+$0x6510]  }
0x24: {  	v5 =	vld [tilespmem:s21+$0x6710];
	[tilespmem:s21+$0x12C90] =	vst v0  }
0x25: {  	v0 =	vld [tilespmem:s21+$0x6520];
	[tilespmem:s21+$0x12CA0] =	vst v1  }
0x26: {  	v1 =	vld [tilespmem:s21+$0x6530];
	[tilespmem:s21+$0x12CB0] =	vst v2  }
0x27: {  	v2 =	vld [tilespmem:s21+$0x6580];
	[tilespmem:s21+$0x12D00] =	vst v3  }
0x28: {  	v3 =	vld [tilespmem:s21+$0x6590];
	[tilespmem:s21+$0x12D10] =	vst v4  }
0x29: {  	v4 =	vld [tilespmem:s21+$0x65A0];
	[tilespmem:s21+$0x12F10] =	vst v5  }
0x2a: {  	[tilespmem:s21+$0x12D20] =	vst v0;
	v0 =	vld [tilespmem:s21+$0x65B0]  }
0x2b: {  	[tilespmem:s21+$0x12D30] =	vst v1;
	v1 =	vld [tilespmem:s21+$0x6600]  }
0x2c: {  	[tilespmem:s21+$0x12D80] =	vst v2;
	v2 =	vld [tilespmem:s21+$0x6610]  }
0x2d: {  	[tilespmem:s21+$0x12D90] =	vst v3;
	v3 =	vld [tilespmem:s21+$0x6620]  }
0x2e: {  	[tilespmem:s21+$0x12DA0] =	vst v4;
	v4 =	vld [tilespmem:s21+$0x6630]  }
0x2f: {  	[tilespmem:s21+$0x12DB0] =	vst v0;
	v0 =	vld [tilespmem:s21+$0x6680]  }
0x30: {  	[tilespmem:s21+$0x12E00] =	vst v1;
	v1 =	vld [tilespmem:s21+$0x6690]  }
0x31: {  	[tilespmem:s21+$0x12E10] =	vst v2;
	v2 =	vld [tilespmem:s21+$0x66A0]  }
0x32: {  	[tilespmem:s21+$0x12E20] =	vst v3;
	v3 =	vld [tilespmem:s21+$0x66B0]  }
0x33: {  	[tilespmem:s21+$0x12E30] =	vst v4;
	v4 =	vld [tilespmem:s21+$0x6700]  }
0x34: {  	[tilespmem:s21+$0x12E80] =	vst v0;
	v0 =	vld [tilespmem:s21+$0x6720]  }
0x35: {  	[tilespmem:s21+$0x12E90] =	vst v1;
	v1 =	vld [tilespmem:s21+$0x6730]  }
0x36: {  	[tilespmem:s21+$0x12EA0] =	vst v2;
	v2 =	vld [tilespmem:s21+$0x6780]  }
0x37: {  	[tilespmem:s21+$0x12EB0] =	vst v3;
	v3 =	vld [tilespmem:s21+$0x6790]  }
0x38: {  	s23 =	simm.s32 $0x400;
	s22 =	simm.s32 $0x2000;
	[tilespmem:s21+$0x12F00] =	vst v4;
	v4 =	vld [tilespmem:s21+$0x67A0]  }
.LBB2_3:
0x39: {  	p0 =	sne.s32 s22, $0x18000;
	v5 =	vld [tilespmem:s23+$0x67B0];
	[tilespmem:s21+$0x12F20] =	vst v0  }
0x3a: {  	v0 =	vld [tilespmem:s23+$0x6400];
	[tilespmem:s21+$0x12F30] =	vst v1  }
0x3b: {  	v1 =	vld [tilespmem:s23+$0x6410];
	[tilespmem:s21+$0x12F80] =	vst v2  }
0x3c: {  	v2 =	vld [tilespmem:s23+$0x6420];
	[tilespmem:s21+$0x12F90] =	vst v3  }
0x3d: {  	v3 =	vld [tilespmem:s23+$0x6430];
	[tilespmem:s21+$0x12FA0] =	vst v4;
	s21 =	smov.u32 s23  }
0x3e: {  	v4 =	vld [tilespmem:s21+$0x6480];
	[tilespmem:s21+$0x12FB0] =	vst v5  }
0x3f: {  	[tilespmem:s21+$0x12C00] =	vst v0;
	v0 =	vld [tilespmem:s21+$0x6490]  }
0x40: {  	[tilespmem:s21+$0x12C10] =	vst v1;
	v1 =	vld [tilespmem:s21+$0x64A0]  }
0x41: {  	[tilespmem:s21+$0x12C20] =	vst v2;
	v2 =	vld [tilespmem:s21+$0x64B0]  }
0x42: {  	[tilespmem:s21+$0x12C30] =	vst v3;
	v3 =	vld [tilespmem:s21+$0x6500]  }
0x43: {  	[tilespmem:s21+$0x12C80] =	vst v4;
	v4 =	vld [tilespmem:s21+$0x6510]  }
0x44: {  	[tilespmem:s21+$0x12C90] =	vst v0;
	v0 =	vld [tilespmem:s21+$0x6520]  }
0x45: {  	[tilespmem:s21+$0x12CA0] =	vst v1;
	v1 =	vld [tilespmem:s21+$0x6530]  }
0x46: {  	[tilespmem:s21+$0x12CB0] =	vst v2;
	v2 =	vld [tilespmem:s21+$0x6580]  }
0x47: {  	[tilespmem:s21+$0x12D00] =	vst v3;
	v3 =	vld [tilespmem:s21+$0x6590]  }
0x48: {  	[tilespmem:s21+$0x12D10] =	vst v4;
	v4 =	vld [tilespmem:s21+$0x65A0]  }
0x49: {  	[tilespmem:s21+$0x12D20] =	vst v0;
	v0 =	vld [tilespmem:s21+$0x65B0]  }
0x4a: {  	[tilespmem:s21+$0x12D30] =	vst v1;
	v1 =	vld [tilespmem:s21+$0x6600]  }
0x4b: {  	[tilespmem:s21+$0x12D80] =	vst v2;
	v2 =	vld [tilespmem:s21+$0x6610]  }
0x4c: {  	[tilespmem:s21+$0x12D90] =	vst v3;
	v3 =	vld [tilespmem:s21+$0x6620]  }
0x4d: {  	[tilespmem:s21+$0x12DA0] =	vst v4;
	v4 =	vld [tilespmem:s21+$0x6630]  }
0x4e: {  	[tilespmem:s21+$0x12DB0] =	vst v0;
	v0 =	vld [tilespmem:s21+$0x6680]  }
0x4f: {  	[tilespmem:s21+$0x12E00] =	vst v1;
	v1 =	vld [tilespmem:s21+$0x6690]  }
0x50: {  	[tilespmem:s21+$0x12E10] =	vst v2;
	v2 =	vld [tilespmem:s21+$0x66A0]  }
0x51: {  	[tilespmem:s21+$0x12E20] =	vst v3;
	v3 =	vld [tilespmem:s21+$0x66B0]  }
0x52: {  	[tilespmem:s21+$0x12E30] =	vst v4;
	v4 =	vld [tilespmem:s21+$0x6700]  }
0x53: {  	[tilespmem:s21+$0x12E80] =	vst v0;
	v5 =	vld [tilespmem:s21+$0x6710]  }
.Ltmp0:
0x54: {  	[tilespmem:s21+$0x12E90] =	vst v1;
	v0 =	vld [tilespmem:s21+$0x6720];
	(pc) =	sbr.rel @p0 .LBB2_3-.Ltmp0, $4  }
0x55: {  	[tilespmem:s21+$0x12EA0] =	vst v2;
	v1 =	vld [tilespmem:s21+$0x6730]  }
0x56: {  	[tilespmem:s21+$0x12EB0] =	vst v3;
	v2 =	vld [tilespmem:s21+$0x6780]  }
0x57: {  	[tilespmem:s21+$0x12F00] =	vst v4;
	v3 =	vld [tilespmem:s21+$0x6790]  }
0x58: {  	s23 =	sshra.s32 s22, $0x2;
	s22 =	sadd.s32 $0x1000, s22;
	[tilespmem:s21+$0x12F10] =	vst v5;
	v4 =	vld [tilespmem:s21+$0x67A0]  }
0x59: {  	v5 =	vld [tilespmem:s23+$0x67B0];
	[tilespmem:s21+$0x12F20] =	vst v0  }
0x5a: {  	v0 =	vld [tilespmem:s23+$0x6400];
	[tilespmem:s21+$0x12F30] =	vst v1  }
0x5b: {  	v1 =	vld [tilespmem:s23+$0x6410];
	[tilespmem:s21+$0x12F80] =	vst v2  }
0x5c: {  	v2 =	vld [tilespmem:s23+$0x6420];
	[tilespmem:s21+$0x12F90] =	vst v3  }
0x5d: {  	v3 =	vld [tilespmem:s23+$0x6430];
	[tilespmem:s21+$0x12FA0] =	vst v4  }
0x5e: {  	v4 =	vld [tilespmem:s23+$0x6480];
	[tilespmem:s23+$0x12FB0] =	vst v5  }
0x5f: {  	[tilespmem:s23+$0x12C00] =	vst v0;
	v0 =	vld [tilespmem:s23+$0x6490]  }
0x60: {  	[tilespmem:s23+$0x12C10] =	vst v1;
	v1 =	vld [tilespmem:s23+$0x64A0]  }
0x61: {  	[tilespmem:s23+$0x12C20] =	vst v2;
	v2 =	vld [tilespmem:s23+$0x64B0]  }
0x62: {  	[tilespmem:s23+$0x12C30] =	vst v3;
	v3 =	vld [tilespmem:s23+$0x6500]  }
0x63: {  	[tilespmem:s23+$0x12C80] =	vst v4;
	v4 =	vld [tilespmem:s23+$0x6510]  }
0x64: {  	[tilespmem:s23+$0x12C90] =	vst v0;
	v0 =	vld [tilespmem:s23+$0x6520]  }
0x65: {  	[tilespmem:s23+$0x12CA0] =	vst v1;
	v1 =	vld [tilespmem:s23+$0x6530]  }
0x66: {  	[tilespmem:s23+$0x12CB0] =	vst v2;
	v2 =	vld [tilespmem:s23+$0x6580]  }
0x67: {  	[tilespmem:s23+$0x12D00] =	vst v3;
	v3 =	vld [tilespmem:s23+$0x6590]  }
0x68: {  	[tilespmem:s23+$0x12D10] =	vst v4;
	v4 =	vld [tilespmem:s23+$0x65A0]  }
0x69: {  	[tilespmem:s23+$0x12D20] =	vst v0;
	v0 =	vld [tilespmem:s23+$0x65B0]  }
0x6a: {  	[tilespmem:s23+$0x12D30] =	vst v1;
	v1 =	vld [tilespmem:s23+$0x6600]  }
0x6b: {  	[tilespmem:s23+$0x12D80] =	vst v2;
	v2 =	vld [tilespmem:s23+$0x6610]  }
0x6c: {  	[tilespmem:s23+$0x12D90] =	vst v3;
	v3 =	vld [tilespmem:s23+$0x6620]  }
0x6d: {  	[tilespmem:s23+$0x12DA0] =	vst v4;
	v4 =	vld [tilespmem:s23+$0x6630]  }
0x6e: {  	[tilespmem:s23+$0x12DB0] =	vst v0;
	v0 =	vld [tilespmem:s23+$0x6680]  }
0x6f: {  	[tilespmem:s23+$0x12E00] =	vst v1;
	v1 =	vld [tilespmem:s23+$0x6690]  }
0x70: {  	[tilespmem:s23+$0x12E10] =	vst v2;
	v2 =	vld [tilespmem:s23+$0x66A0]  }
0x71: {  	[tilespmem:s23+$0x12E20] =	vst v3;
	v3 =	vld [tilespmem:s23+$0x66B0]  }
0x72: {  	[tilespmem:s23+$0x12E30] =	vst v4;
	v4 =	vld [tilespmem:s23+$0x6700]  }
0x73: {  	[tilespmem:s23+$0x12E80] =	vst v0;
	v0 =	vld [tilespmem:s23+$0x6710]  }
0x74: {  	[tilespmem:s23+$0x12E90] =	vst v1;
	v1 =	vld [tilespmem:s23+$0x6720]  }
0x75: {  	[tilespmem:s23+$0x12EA0] =	vst v2;
	v2 =	vld [tilespmem:s23+$0x6730]  }
0x76: {  	[tilespmem:s23+$0x12EB0] =	vst v3;
	v3 =	vld [tilespmem:s23+$0x6780]  }
0x77: {  	[tilespmem:s23+$0x12F00] =	vst v4;
	v4 =	vld [tilespmem:s23+$0x6790]  }
0x78: {  	[tilespmem:s23+$0x12F10] =	vst v0;
	v0 =	vld [tilespmem:s23+$0x67A0]  }
0x79: {  	p0 =	seq.s32 s20, $0x3F;
	[tilespmem:s23+$0x12F20] =	vst v1  }
0x7a: {  	s21 =	smul.u32 @!p0 $0x640, s20;
	[tilespmem:s23+$0x12F30] =	vst v2  }
0x7b: {  	s22 =	smul.u32 $0x190, s20;
	[tilespmem:s23+$0x12F80] =	vst v3  }
0x7c: {  	s25 =	simm.s32 @!p0 $0x6400;
	s21 =	sshra.s32 @!p0 s21, $0x2;
	[tilespmem:s23+$0x12F90] =	vst v4  }
0x7d: {  	s31 =	sadd.s32 s3, s22;
	s24 =	sadd.s32 @!p0 $0x190, s21;
	[tilespmem:s23+$0x12FA0] =	vst v0;
	s23 =	simm.s32 @!p0 $0xC8  }
0x7e: {  	[tilespmem:s25], [sflag:$0x1] =	stream.indirect.gather @!p0 [hbm4b:s4+s23], $0x80, s24, s23, $0xb8;
	[tilespmem:$0x1F400] =	vst v63  }
0x7f: {  	s23 =	sshll.u32 s31, $0x4  }
0x80: {  	s23 =	sadd.s32 s5, s23  }
0x81: {  	[hbm4b:s23+s2] =	stream.linear.scatter [tilespmem:s14], [sflag:$0x3], $0x6400, $0x38;
	[tilespmem:$0x1F400] =	vst v63  }
0x82: {  	_ =	swait.ge [sflag:s15], $0x6400  }
0x83: {  	[sflag:s15] =	ssyncset.done $0x0  }
0x84: {  	s23 =	simm.s32 @!p1 $0x4;
	[sflag:s15] =	ssyncadd.s32 $0xFFFF9C00  }
0x85: {  	_ =	swait.ge @!p1 [sflag:s23], $0x6400  }
0x86: {  	[sflag:s23] =	ssyncset.done @!p1 $0x0  }
0x87: {  	[sflag:s23] =	ssyncadd.s32 @!p1 $0xFFFF9C00;
	s23 =	simm.s32 $0x0  }
0x88: {  	v0 =	vld [tilespmem:s23+$0xCBB0]  }
0x89: {  	v1 =	vld [tilespmem:s23+$0xC800]  }
0x8a: {  	v2 =	vld [tilespmem:s23+$0xC810]  }
0x8b: {  	v3 =	vld [tilespmem:s23+$0xC820]  }
0x8c: {  	v4 =	vld [tilespmem:s23+$0xC830]  }
0x8d: {  	v5 =	vld [tilespmem:s23+$0xC880];
	[tilespmem:s23+$0x193B0] =	vst v0  }
0x8e: {  	[tilespmem:s23+$0x19000] =	vst v1;
	v0 =	vld [tilespmem:s23+$0xC890]  }
0x8f: {  	[tilespmem:s23+$0x19010] =	vst v2;
	v1 =	vld [tilespmem:s23+$0xC8A0]  }
0x90: {  	[tilespmem:s23+$0x19020] =	vst v3;
	v2 =	vld [tilespmem:s23+$0xC8B0]  }
0x91: {  	[tilespmem:s23+$0x19030] =	vst v4;
	v3 =	vld [tilespmem:s23+$0xC900]  }
0x92: {  	[tilespmem:s23+$0x19080] =	vst v5;
	v4 =	vld [tilespmem:s23+$0xC910]  }
0x93: {  	v5 =	vld [tilespmem:s23+$0xCB10];
	[tilespmem:s23+$0x19090] =	vst v0  }
0x94: {  	v0 =	vld [tilespmem:s23+$0xC920];
	[tilespmem:s23+$0x190A0] =	vst v1  }
0x95: {  	v1 =	vld [tilespmem:s23+$0xC930];
	[tilespmem:s23+$0x190B0] =	vst v2  }
0x96: {  	v2 =	vld [tilespmem:s23+$0xC980];
	[tilespmem:s23+$0x19100] =	vst v3  }
0x97: {  	v3 =	vld [tilespmem:s23+$0xC990];
	[tilespmem:s23+$0x19110] =	vst v4  }
0x98: {  	v4 =	vld [tilespmem:s23+$0xC9A0];
	[tilespmem:s23+$0x19310] =	vst v5  }
0x99: {  	[tilespmem:s23+$0x19120] =	vst v0;
	v0 =	vld [tilespmem:s23+$0xC9B0]  }
0x9a: {  	[tilespmem:s23+$0x19130] =	vst v1;
	v1 =	vld [tilespmem:s23+$0xCA00]  }
0x9b: {  	[tilespmem:s23+$0x19180] =	vst v2;
	v2 =	vld [tilespmem:s23+$0xCA10]  }
0x9c: {  	[tilespmem:s23+$0x19190] =	vst v3;
	v3 =	vld [tilespmem:s23+$0xCA20]  }
0x9d: {  	[tilespmem:s23+$0x191A0] =	vst v4;
	v4 =	vld [tilespmem:s23+$0xCA30]  }
0x9e: {  	[tilespmem:s23+$0x191B0] =	vst v0;
	v0 =	vld [tilespmem:s23+$0xCA80]  }
0x9f: {  	[tilespmem:s23+$0x19200] =	vst v1;
	v1 =	vld [tilespmem:s23+$0xCA90]  }
0xa0: {  	[tilespmem:s23+$0x19210] =	vst v2;
	v2 =	vld [tilespmem:s23+$0xCAA0]  }
0xa1: {  	[tilespmem:s23+$0x19220] =	vst v3;
	v3 =	vld [tilespmem:s23+$0xCAB0]  }
0xa2: {  	[tilespmem:s23+$0x19230] =	vst v4;
	v4 =	vld [tilespmem:s23+$0xCB00]  }
0xa3: {  	[tilespmem:s23+$0x19280] =	vst v0;
	v0 =	vld [tilespmem:s23+$0xCB20]  }
0xa4: {  	[tilespmem:s23+$0x19290] =	vst v1;
	v1 =	vld [tilespmem:s23+$0xCB30]  }
0xa5: {  	[tilespmem:s23+$0x192A0] =	vst v2;
	v2 =	vld [tilespmem:s23+$0xCB80]  }
0xa6: {  	[tilespmem:s23+$0x192B0] =	vst v3;
	v3 =	vld [tilespmem:s23+$0xCB90]  }
0xa7: {  	s25 =	simm.s32 $0x400;
	s24 =	simm.s32 $0x2000;
	[tilespmem:s23+$0x19300] =	vst v4;
	v4 =	vld [tilespmem:s23+$0xCBA0]  }
.LBB2_5:
0xa8: {  	p1 =	sne.s32 s24, $0x18000;
	v5 =	vld [tilespmem:s25+$0xCBB0];
	[tilespmem:s23+$0x19320] =	vst v0  }
0xa9: {  	v0 =	vld [tilespmem:s25+$0xC800];
	[tilespmem:s23+$0x19330] =	vst v1  }
0xaa: {  	v1 =	vld [tilespmem:s25+$0xC810];
	[tilespmem:s23+$0x19380] =	vst v2  }
0xab: {  	v2 =	vld [tilespmem:s25+$0xC820];
	[tilespmem:s23+$0x19390] =	vst v3  }
0xac: {  	v3 =	vld [tilespmem:s25+$0xC830];
	[tilespmem:s23+$0x193A0] =	vst v4;
	s23 =	smov.u32 s25  }
0xad: {  	v4 =	vld [tilespmem:s23+$0xC880];
	[tilespmem:s23+$0x193B0] =	vst v5  }
0xae: {  	[tilespmem:s23+$0x19000] =	vst v0;
	v0 =	vld [tilespmem:s23+$0xC890]  }
0xaf: {  	[tilespmem:s23+$0x19010] =	vst v1;
	v1 =	vld [tilespmem:s23+$0xC8A0]  }
0xb0: {  	[tilespmem:s23+$0x19020] =	vst v2;
	v2 =	vld [tilespmem:s23+$0xC8B0]  }
0xb1: {  	[tilespmem:s23+$0x19030] =	vst v3;
	v3 =	vld [tilespmem:s23+$0xC900]  }
0xb2: {  	[tilespmem:s23+$0x19080] =	vst v4;
	v4 =	vld [tilespmem:s23+$0xC910]  }
0xb3: {  	[tilespmem:s23+$0x19090] =	vst v0;
	v0 =	vld [tilespmem:s23+$0xC920]  }
0xb4: {  	[tilespmem:s23+$0x190A0] =	vst v1;
	v1 =	vld [tilespmem:s23+$0xC930]  }
0xb5: {  	[tilespmem:s23+$0x190B0] =	vst v2;
	v2 =	vld [tilespmem:s23+$0xC980]  }
0xb6: {  	[tilespmem:s23+$0x19100] =	vst v3;
	v3 =	vld [tilespmem:s23+$0xC990]  }
0xb7: {  	[tilespmem:s23+$0x19110] =	vst v4;
	v4 =	vld [tilespmem:s23+$0xC9A0]  }
0xb8: {  	[tilespmem:s23+$0x19120] =	vst v0;
	v0 =	vld [tilespmem:s23+$0xC9B0]  }
0xb9: {  	[tilespmem:s23+$0x19130] =	vst v1;
	v1 =	vld [tilespmem:s23+$0xCA00]  }
0xba: {  	[tilespmem:s23+$0x19180] =	vst v2;
	v2 =	vld [tilespmem:s23+$0xCA10]  }
0xbb: {  	[tilespmem:s23+$0x19190] =	vst v3;
	v3 =	vld [tilespmem:s23+$0xCA20]  }
0xbc: {  	[tilespmem:s23+$0x191A0] =	vst v4;
	v4 =	vld [tilespmem:s23+$0xCA30]  }
0xbd: {  	[tilespmem:s23+$0x191B0] =	vst v0;
	v0 =	vld [tilespmem:s23+$0xCA80]  }
0xbe: {  	[tilespmem:s23+$0x19200] =	vst v1;
	v1 =	vld [tilespmem:s23+$0xCA90]  }
0xbf: {  	[tilespmem:s23+$0x19210] =	vst v2;
	v2 =	vld [tilespmem:s23+$0xCAA0]  }
0xc0: {  	[tilespmem:s23+$0x19220] =	vst v3;
	v3 =	vld [tilespmem:s23+$0xCAB0]  }
0xc1: {  	[tilespmem:s23+$0x19230] =	vst v4;
	v4 =	vld [tilespmem:s23+$0xCB00]  }
0xc2: {  	[tilespmem:s23+$0x19280] =	vst v0;
	v5 =	vld [tilespmem:s23+$0xCB10]  }
.Ltmp1:
0xc3: {  	[tilespmem:s23+$0x19290] =	vst v1;
	v0 =	vld [tilespmem:s23+$0xCB20];
	(pc) =	sbr.rel @p1 .LBB2_5-.Ltmp1, $4  }
0xc4: {  	[tilespmem:s23+$0x192A0] =	vst v2;
	v1 =	vld [tilespmem:s23+$0xCB30]  }
0xc5: {  	[tilespmem:s23+$0x192B0] =	vst v3;
	v2 =	vld [tilespmem:s23+$0xCB80]  }
0xc6: {  	[tilespmem:s23+$0x19300] =	vst v4;
	v3 =	vld [tilespmem:s23+$0xCB90]  }
0xc7: {  	s25 =	sshra.s32 s24, $0x2;
	s24 =	sadd.s32 $0x1000, s24;
	[tilespmem:s23+$0x19310] =	vst v5;
	v4 =	vld [tilespmem:s23+$0xCBA0]  }
0xc8: {  	v5 =	vld [tilespmem:s25+$0xCBB0];
	[tilespmem:s23+$0x19320] =	vst v0  }
0xc9: {  	v0 =	vld [tilespmem:s25+$0xC800];
	[tilespmem:s23+$0x19330] =	vst v1  }
0xca: {  	v1 =	vld [tilespmem:s25+$0xC810];
	[tilespmem:s23+$0x19380] =	vst v2  }
0xcb: {  	v2 =	vld [tilespmem:s25+$0xC820];
	[tilespmem:s23+$0x19390] =	vst v3  }
0xcc: {  	v3 =	vld [tilespmem:s25+$0xC830];
	[tilespmem:s23+$0x193A0] =	vst v4  }
0xcd: {  	v4 =	vld [tilespmem:s25+$0xC880];
	[tilespmem:s25+$0x193B0] =	vst v5  }
0xce: {  	v38 =	vld [tilespmem:s25+$0xC890];
	[tilespmem:s25+$0x19000] =	vst v0  }
0xcf: {  	v39 =	vld [tilespmem:s25+$0xC8A0];
	[tilespmem:s25+$0x19010] =	vst v1  }
0xd0: {  	v40 =	vld [tilespmem:s25+$0xC8B0];
	[tilespmem:s25+$0x19020] =	vst v2  }
0xd1: {  	v41 =	vld [tilespmem:s25+$0xC900];
	[tilespmem:s25+$0x19030] =	vst v3  }
0xd2: {  	v42 =	vld [tilespmem:s25+$0xC910];
	[tilespmem:s25+$0x19080] =	vst v4  }
0xd3: {  	v43 =	vld [tilespmem:s25+$0xC920];
	[tilespmem:s25+$0x19090] =	vst v38  }
0xd4: {  	v44 =	vld [tilespmem:s25+$0xC930];
	[tilespmem:s25+$0x190A0] =	vst v39  }
0xd5: {  	v45 =	vld [tilespmem:s25+$0xC980];
	[tilespmem:s25+$0x190B0] =	vst v40  }
0xd6: {  	v46 =	vld [tilespmem:s25+$0xC990];
	[tilespmem:s25+$0x19100] =	vst v41  }
0xd7: {  	v47 =	vld [tilespmem:s25+$0xC9A0];
	[tilespmem:s25+$0x19110] =	vst v42  }
0xd8: {  	v48 =	vld [tilespmem:s25+$0xC9B0];
	[tilespmem:s25+$0x19120] =	vst v43  }
0xd9: {  	v49 =	vld [tilespmem:s25+$0xCA00];
	[tilespmem:s25+$0x19130] =	vst v44  }
0xda: {  	v50 =	vld [tilespmem:s25+$0xCA10];
	[tilespmem:s25+$0x19180] =	vst v45  }
0xdb: {  	v51 =	vld [tilespmem:s25+$0xCA20];
	[tilespmem:s25+$0x19190] =	vst v46  }
0xdc: {  	v52 =	vld [tilespmem:s25+$0xCA30];
	[tilespmem:s25+$0x191A0] =	vst v47  }
0xdd: {  	v53 =	vld [tilespmem:s25+$0xCA80];
	[tilespmem:s25+$0x191B0] =	vst v48  }
0xde: {  	v54 =	vld [tilespmem:s25+$0xCA90];
	[tilespmem:s25+$0x19200] =	vst v49  }
0xdf: {  	v55 =	vld [tilespmem:s25+$0xCAA0];
	[tilespmem:s25+$0x19210] =	vst v50  }
0xe0: {  	v56 =	vld [tilespmem:s25+$0xCAB0];
	[tilespmem:s25+$0x19220] =	vst v51  }
0xe1: {  	v57 =	vld [tilespmem:s25+$0xCB00];
	[tilespmem:s25+$0x19230] =	vst v52  }
0xe2: {  	v58 =	vld [tilespmem:s25+$0xCB10];
	[tilespmem:s25+$0x19280] =	vst v53  }
0xe3: {  	v59 =	vld [tilespmem:s25+$0xCB20];
	[tilespmem:s25+$0x19290] =	vst v54  }
0xe4: {  	v60 =	vld [tilespmem:s25+$0xCB30];
	[tilespmem:s25+$0x192A0] =	vst v55  }
0xe5: {  	v61 =	vld [tilespmem:s25+$0xCB80];
	[tilespmem:s25+$0x192B0] =	vst v56  }
0xe6: {  	v62 =	vld [tilespmem:s25+$0xCB90];
	[tilespmem:s25+$0x19300] =	vst v57  }
0xe7: {  	v63 =	vld [tilespmem:s25+$0xCBA0];
	[tilespmem:s25+$0x19310] =	vst v58  }
0xe8: {  	[tilespmem:s25+$0x19320] =	vst v59  }
0xe9: {  	[tilespmem:s25+$0x19330] =	vst v60  }
0xea: {  	[tilespmem:s25+$0x19380] =	vst v61  }
0xeb: {  	s21 =	sadd.s32 @!p0 $0x258, s21;
	[tilespmem:s25+$0x19390] =	vst v62  }
0xec: {  	s24 =	simm.s32 @!p0 $0xC800;
	s20 =	sadd.s32 $0x1, s20;
	s23 =	simm.s32 @!p0 $0xC8;
	[tilespmem:s25+$0x193A0] =	vst v63  }
0xed: {  	[tilespmem:s24], [sflag:$0x2] =	stream.indirect.gather @!p0 [hbm4b:s4+s23], $0x80, s21, s23, $0xb8;
	[tilespmem:$0x1F400] =	vst v63  }
0xee: {  	p0 =	sne.s32 s20, $0x40  }
.Ltmp2:
0xef: {  	_ = 	snop;
	(pc) =	sbr.rel @p0 .LBB2_2-.Ltmp2, $4  }
0xf0: {  	s31 =	sadd.s32 s22, s7  }
0xf1: {  	s21 =	sshll.u32 s31, $0x4  }
0xf2: {  	s21 =	sadd.s32 s5, s21  }
0xf3: {  	[hbm4b:s21+s2] =	stream.linear.scatter [tilespmem:s16], [sflag:$0x4], $0x6400, $0x38;
	[tilespmem:$0x1F400] =	vst v63  }
0xf4: {  	s19 =	sadd.s32 $0x1, s19  }
0xf5: {  	_ =	swait.ge [sflag:s17], $0x6400;
	p0 =	sne.s32 s19, s8  }
.Ltmp3:
0xf6: {  	[sflag:s17] =	ssyncset.done $0x0;
	(pc) =	sbr.rel @p0 .LBB2_1-.Ltmp3, $4  }
0xf7: {  	[sflag:s17] =	ssyncadd.s32 $0xFFFF9C00  }
0xf8: {  	_ =	swait.ge [sflag:s18], $0x6400  }
0xf9: {  	[sflag:s18] =	ssyncset.done $0x0  }
0xfa: {  	[sflag:s18] =	ssyncadd.s32 $0xFFFF9C00  }
0xfb: {  	_ =	sfence.sel $0x180000  }
0xfc: {  	[bflag:$0x0] =	sbarrier.arrive $0xFFFF  }
0xfd: {  	p0 =	sne.s32 s0, $0x0;
	_ =	strace $0x90000047  }
0xfe: {  	s0 =	sadd.s32 @!p0 $0x100000, s1;
	[bflag:$0x2] =	sbarrier.arrive $0xFFFF  }
0xff: {  	[sflag:s0] =	ssyncadd.tile.s32 @!p0 $0x1;
	_ =	shalt  }
.Lfunc_end2:
_tile_overlayer_lowered:
.L_overlay_start_2:
0x100: {  	(tag) =	ssettag $0x2  }
0x101: {  	s0 =	rddreg [dreg:$0x0];
	s2 =	stileid.u32  }
0x102: {  	s1 =	rddreg [dreg:$0x1];
	p0 =	sne.s32 s2, $0x0  }
0x103: {  	s3 =	rddreg [dreg:$0x2];
	[bflag:$0x3] =	sbarrier.arrive $0xFFFF;
	s2 =	simm.s32 @!p0 $0x1C05  }
0x104: {  	[timem:s3], [sflag:s2] =	dma.local @!p0 [hbm:s0], s1  }
0x105: {  	s0 =	simm.s32 @!p0 $0x5  }
0x106: {  	_ =	swait.ge @!p0 [sflag:s0], s1  }
0x107: {  	s1 =	ssub.s32 @!p0 $0x0, s1;
	[sflag:s0] =	ssyncset.done @!p0 $0x0  }
0x108: {  	[sflag:s0] =	ssyncadd.s32 @!p0 s1  }
0x109: {  	[bflag:$0x3] =	sbarrier.arrive $0xFFFF  }
0x10a: {  	_ =	shalt  }

// kernel: sparse-core-data-format-call.cloned.1.call-start
scs
called_computation_lowered:
.L_overlay_start_0:
0x0: {  	s2 =	sld [smem:$0x3FD9]  }
0x1: {  	s3 =	sld [smem:$0x3FFE];
	_ =	sdelay $0x1  }
0x2: {  	s1 =	srdreg.scid  }
0x3: {  	s0 =	sand.u32 $0x1, s1  }
0x4: {  	s18 =	sshll.u32 s0, $0xA;
	s2 =	sadd.s32 s3, s2  }
0x5: {  	s2 =	sadd.s32 s2, s18  }
0x6: {  	[smem:$0x3FC6] =	sst s2  }
0x7: {  	_ = 	snop  }
0x8: {  	s2 =	sld [smem:$0x3FD0];
	(tm) =	ssettm $0x1  }
0x9: {  	s19 =	sld [smem:$0x3FFB];
	_ =	sdelay $0x3  }
0xa: {  	_ =	strace s19  }
0xb: {  	s3 =	sld [smem:$0x3FFC];
	_ =	sdelay $0x3  }
0xc: {  	_ =	strace s3  }
0xd: {  	s3 =	sld [smem:$0x3FFD];
	_ =	sdelay $0x3  }
0xe: {  	_ =	strace s3  }
0xf: {  	_ =	strace $0x8FFFFFFF  }
0x10: {  	s20 =	sld [smem:$0x3FDB];
	_ =	sdelay $0x1  }
0x11: {  	s4 =	simm.s32 $_scs_section_size  }
0x12: {  	s5 =	simm.s32 $_size__tile_overlayer_lowered;
	s6 =	simm.s32 $_tile_overlayer_lowered  }
0x13: {  	s23 =	simm.s32 $0x1BFF;
	s22 =	sshll.u32 s6, $0x1;
	s3 =	sadd.s32 s4, s20  }
0x14: {  	s7 =	simm.s32 $0x0;
	s21 =	sshll.u32 s5, $0x1;
	s5 =	sadd.s32 s22, s3  }
0x15: {  	[timem:s7], [sflag:s23] =	dma.local [hbm:s5], s21  }
0x16: {  	_ =	swait.ge [sflag:s23], s21  }
0x17: {  	s4 =	ssub.s32 $0x0, s21;
	[sflag:s23] =	ssyncset.done $0x0  }
0x18: {  	[sflag:s23] =	ssyncadd.s32 s4;
	_ =	sdelay $0x1  }
0x19: {  	s24 =	simm.s32 $0x1B8B  }
0x1a: {  	_ =	swait.ge [sflag:s24], $0x1  }
0x1b: {  	[sflag:s24] =	ssyncset.done $0x0  }
0x1c: {  	s26 =	simm.s32 $0x1B8E;
	s25 =	sld [smem:$0x3FFE];
	[sflag:s24] =	ssyncadd.s32 $0xFFFFFFFF  }
0x1d: {  	s27 =	simm.s32 $execute0_lowered;
	[smem:$0x3FD2] =	sst s26  }
0x1e: {  	s5 =	sshll.u32 s27, $0x1;
	_ =	strace $0x80000049;
	[dreg:$0x1] =	wrdreg $0xFFFFFFFF  }
0x1f: {  	s28 =	simm.s32 $_size_execute0_lowered;
	s3 =	sadd.s32 s3, s5;
	[dreg:$0x0] =	wrdreg $0x0  }
0x20: {  	s5 =	sshll.u32 s28, $0x1;
	[dreg:$0x2] =	wrdreg s3  }
0x21: {  	[dreg:$0x3] =	wrdreg s5  }
0x22: {  	[dreg:$0x4] =	wrdreg $0xC0  }
0x23: {  	_ =	task [dreg:s7], $0x5FFFF  }
0x24: {  	[dreg:$0x1] =	wrdreg $0xFFFFFFFF  }
0x25: {  	[dreg:$0x0] =	wrdreg $0x60  }
0x26: {  	[dreg:$0x2] =	wrdreg s25  }
0x27: {  	[dreg:$0x3] =	wrdreg s2  }
0x28: {  	[dreg:$0x4] =	wrdreg $0x9  }
0x29: {  	_ =	task.clear_ibuf [dreg:s7], $0x5FFFF;
	_ =	strace $0x90000049  }
0x2a: {  	s29 =	simm.s32 $0x9;
	_ =	strace $0x8000004B  }
0x2b: {  	_ =	swait.ge [sflag:s29], $0x1  }
0x2c: {  	[sflag:s29] =	ssyncadd.s32 $0xFFFFFFFF  }
0x2d: {  	_ =	strace $0x9000004B  }
0x2e: {  	_ =	sfence  }
0x2f: {  	s30 =	sld [smem:$0x0];
	_ =	sdelay $0x2  }
0x30: {  	s31 =	sshll.u32 s1, $0xD;
	s1 =	sshrl.u32 s1, $0x2  }
0x31: {  	s3 =	sand.u32 $0x4000, s31;
	s1 =	sadd.s32 s1, s30  }
0x32: {  	s0 =	sor.u32 s3, s0;
	s1 =	sshll.u32 s1, $0x11  }
0x33: {  	s0 =	sor.u32 s1, s0  }
0x34: {  	s0 =	sadd.s32 $0x8F2B, s0  }
0x35: {  	[sflag:s0] =	ssyncadd.remote.s32 $0x1  }
0x36: {  	_ =	sfence.sel $0xFFFF  }
0x37: {  	[dreg:$0x0] =	wrdreg $0xFFFFFFFF;
	(pc) =	sbr.abs _section_cstart, $3  }
0x38: {  	[dreg:$0x1] =	wrdreg $0xFFFFFFFF  }
0x39: {  	_ =	task.clear_ibuf [dreg:s7], $0x2FFFF;
	_ =	strace $0x9FFFFFFF  }
0x3a: {  	(tm) =	ssettm $0x7FFFFFFF  }
0x3b: {  	_ =	shalt  }
tec
execute0_lowered:
.L_overlay_start_1:
0x0: {  	(tag) =	ssettag $0x1  }
0x1: {  	s0 =	srdreg.scid  }
0x2: {  	s1 =	sshll.u32 s0, $0x4  }
0x3: {  	s0 =	stileid.u32;
	s1 =	sand.u32 $0x10, s1  }
0x4: {  	s1 =	sor.u32 s0, s1  }
0x5: {  	s6 =	rddreg [dreg:$0x0];
	s4 =	simm.s32 $0x1;
	s2 =	sshll.u32 s1, $0x7  }
0x6: {  	s7 =	simm.s32 $0x2;
	s12 =	simm.s32 $0x0;
	s1 =	ssub.s32 $0x1000, s2  }
0x7: {  	s8 =	simm.s32 $0x8000;
	s13 =	simm.s32 $0x0;
	s3 =	sand.u32 $0xF80, s1  }
0x8: {  	s9 =	simm.s32 $0x0;
	s5 =	sshrl.u32 s1, $0xC;
	p0 =	sne.s32 s3, $0x0  }
.Ltmp0:
0x9: {  	s1 =	rddreg [dreg:$0x2];
	s4 =	simm.s32 @!p0 $0x0;
	(pc) =	sbr.rel .LBB1_1-.Ltmp0, $4  }
0xa: {  	s11 =	simm.s32 $0x0;
	s3 =	rddreg [dreg:$0x1];
	s5 =	sadd.s32 s4, s5  }
0xb: {  	_ =	strace $0x8000004A;
	s4 =	simm.s32 $0x1;
	s5 =	smul.u32 $0xC8, s5  }
0xc: {  	s6 =	sadd.s32 $0xA00, s6;
	s10 =	smov.u32 s2;
	[sflag:s4] =	ssyncpa.u1 $0x0  }
0xd: {  	p0 =	por $0x0, $0x0;
	[sflag:s7] =	ssyncpa.u1 $0x0;
	s7 =	sor.u32 $0x1, s5  }
.LBB1_4:
0xe: {  	s16 =	sshll.u32 s13, $0x3;
	s17 =	sand.u32 $0x78, s13  }
0xf: {  	s30 =	sand.u32 $0x7E00, s13;
	s12 =	sshll.u32 s12, $0xF;
	s16 =	sand.u32 $0xC00, s16  }
0x10: {  	[tilespmem:s15+$0x810 ss:$0x81] =	vst.msk $0xffff, v2;
	s31 =	sand.u32 $0x7, s13;
	s16 =	sor.u32 s17, s16;
	s17 =	sadd.s32 s3, s30  }
0x11: {  	[tilespmem:s15+$0x1020 ss:$0x81] =	vst.msk $0xffff, v0;
	s13 =	sshll.u32 s31, $0x12;
	s12 =	sadd.s32 s12, s17;
	s16 =	sshrl.u32 s16, $0x3  }
0x12: {  	[tilespmem:s15+$0x0 ss:$0x81] =	vst.msk $0xffff, v1;
	s13 =	sor.u32 $0x400, s13;
	s12 =	sadd.s32 s16, s12  }
0x13: {  	[hbm4b:s12+s13] =	stream.strided.scatter [tilespmem:s14], [sflag:$0x2], $0x2000, s8, s13, $0x20;
	[tilespmem:$0x8080] =	vst v63  }
.LBB1_5:
0x14: {  	s14 =	sadd.s32 $0x1, s9  }
0x15: {  	s12 =	sadd.s32 $0x1000, s10;
	s16 =	smov.u32 s10;
	p2 =	sgt.s32 s14, $0xC7  }
0x16: {  	s16 =	smov.u32 @p2 s12  }
0x17: {  	s14 =	simm.s32 @p2 $0x0;
	p2 =	sgt.s32 s16, $0xFFF  }
0x18: {  	s16 =	smov.u32 @p2 s2;
	p2 =	sne.s32 s11, s7  }
.Ltmp1:
0x19: {  	p1 =	slt.u32 s11, $0x2;
	(pc) =	sbr.rel @!p2 .LBB1_6-.Ltmp1, $4  }
0x1a: {  	s15 =	simm.s32 @!p1 $0x2  }
0x1b: {  	s13 =	smov.u32 s10;
	p0 =	por !p0, !p0;
	_ =	swait.ge @!p1 [sflag:s15], $0x2000  }
0x1c: {  	s12 =	smov.u32 s9;
	[sflag:s15] =	ssyncset.done @!p1 $0x0;
	s9 =	smov.u32 s14  }
0x1d: {  	s11 =	sadd.s32 $0x1, s11;
	[sflag:s15] =	ssyncadd.s32 @!p1 $0xFFFFE000;
	s10 =	smov.u32 s16  }
.LBB1_1:
0x1e: {  	p1 =	sge.u32 s11, s5  }
0x1f: {  	s14 =	sand.u32 @!p1 $0x1FFFFFF, s9  }
0x20: {  	s15 =	smulhi.u32 @!p1 $0x147AE15, s14;
	_ =	sdelay $0x1  }
0x21: {  	s15 =	smul.u32 @!p1 $0xC8, s15  }
0x22: {  	s16 =	sxor.u32 @!p1 $0xFFFFFFFF, s11;
	s17 =	smul.u32 @!p1 $0xC80, s10  }
0x23: {  	s31 =	sadd.s32 $0xFFFFFFFF, s11;
	s16 =	sshll.u32 @!p1 s16, $0xD;
	s14 =	ssub.s32 @!p1 s14, s15  }
0x24: {  	s15 =	sand.u32 @!p1 $0x2000, s16;
	s16 =	sadd.s32 @!p1 s6, s17;
	s14 =	sshll.u32 @!p1 s14, $0x4  }
0x25: {  	s17 =	simm.s32 @!p1 $0x6400;
	s14 =	sadd.s32 @!p1 s14, s16;
	s16 =	simm.s32 @!p1 $0x40  }
0x26: {  	[tilespmem:s15], [sflag:$0x1] =	stream.strided.gather @!p1 [hbm4b:s14+s16], $0x2000, s17, s16, $0x38;
	[tilespmem:$0x8080] =	vst v63  }
0x27: {  	p1 =	sge.u32 s31, s5  }
.Ltmp2:
0x28: {  	_ = 	snop;
	(pc) =	sbr.rel @p1 .LBB1_5-.Ltmp2, $1  }
0x29: {  	_ =	sdelay $0x3  }
0x2a: {  	s14 =	simm.s32 $0x1  }
0x2b: {  	_ =	swait.ge [sflag:s4], $0x2000;
	s14 =	simm.s32 @!p0 $0x0  }
0x2c: {  	[sflag:s4] =	ssyncset.done $0x0;
	s15 =	sshll.u32 s14, $0xD  }
0x2d: {  	[sflag:s4] =	ssyncadd.s32 $0xFFFFE000;
	s18 =	sor.u32 $0x20, s15  }
0x2e: {  	s14 =	smul.u32 $0x8100, s14;
	v3 =	vld [tilespmem:s18+$0x10]  }
0x2f: {  	s30 =	sand.u32 $0x1, s11;
	v2 =	vld [tilespmem:s18+$0xFFFFFFF0]  }
0x30: {  	s15 =	smul.u32 $0x8100, s30;
	s14 =	sshrl.u32 s14, $0x2;
	v0 =	vld [tilespmem:s18+$0x0]  }
0x31: {  	v1 =	vld [tilespmem:s18+$0xFFFFFFE0];
	s16 =	sor.u32 $0x4000, s14  }
0x32: {  	s31 =	sshrl.u32 s15, $0x2;
	s15 =	sadd.s32 $0x0, s16  }
0x33: {  	s17 =	simm.s32 $0x4;
	s18 =	sadd.s32 $0x40, s18;
	s14 =	sor.u32 $0x4000, s31;
	[tilespmem:s15+$0x1830 ss:$0x81] =	vst.msk $0xffff, v3  }
.LBB1_3:
0x34: {  	v3 =	vld [tilespmem:s18+$0x10];
	p1 =	sne.s32 s17, $0x1FC;
	[tilespmem:s15+$0x810 ss:$0x81] =	vst.msk $0xffff, v2;
	s19 =	smov.u32 s17;
	s17 =	sadd.s32 $0x4, s17  }
.Ltmp3:
0x35: {  	v2 =	vld [tilespmem:s18+$0xFFFFFFF0];
	[tilespmem:s15+$0x1020 ss:$0x81] =	vst.msk $0xffff, v0;
	(pc) =	sbr.rel @p1 .LBB1_3-.Ltmp3, $4  }
0x36: {  	v0 =	vld [tilespmem:s18+$0x0];
	[tilespmem:s15+$0x0 ss:$0x81] =	vst.msk $0xffff, v1  }
0x37: {  	s15 =	sshra.s32 s19, $0x2;
	v1 =	vld [tilespmem:s18+$0xFFFFFFE0]  }
0x38: {  	s15 =	sadd.s32 s15, s16  }
0x39: {  	s18 =	sadd.s32 $0x40, s18;
	[tilespmem:s15+$0x1830 ss:$0x81] =	vst.msk $0xffff, v3  }
.Ltmp4:
0x3a: {  	_ = 	snop;
	(pc) =	sbr.rel .LBB1_4-.Ltmp4, $1  }
0x3b: {  	_ =	sdelay $0x3  }
.LBB1_6:
0x3c: {  	_ =	sfence.sel $0x180000  }
0x3d: {  	s2 =	simm.s32 $0x1;
	[bflag:$0x0] =	sbarrier.arrive $0xFFFF  }
0x3e: {  	s31 =	simm.s32 $0x2;
	[sflag:s2] =	ssyncpa.u1 $0x1  }
0x3f: {  	[sflag:s31] =	ssyncpa.u1 $0x1  }
0x40: {  	p0 =	sne.s32 s0, $0x0;
	_ =	strace $0x9000004A  }
0x41: {  	s0 =	sadd.s32 @!p0 $0x100000, s1;
	[bflag:$0x2] =	sbarrier.arrive $0xFFFF  }
0x42: {  	[sflag:s0] =	ssyncadd.tile.s32 @!p0 $0x1;
	_ =	shalt  }
.Lfunc_end1:
_tile_overlayer_lowered:
.L_overlay_start_2:
0x43: {  	(tag) =	ssettag $0x2  }
0x44: {  	s0 =	rddreg [dreg:$0x0];
	s2 =	stileid.u32  }
0x45: {  	s1 =	rddreg [dreg:$0x1];
	p0 =	sne.s32 s2, $0x0  }
0x46: {  	s3 =	rddreg [dreg:$0x2];
	[bflag:$0x3] =	sbarrier.arrive $0xFFFF;
	s2 =	simm.s32 @!p0 $0x1C01  }
0x47: {  	[timem:s3], [sflag:s2] =	dma.local @!p0 [hbm:s0], s1  }
0x48: {  	s0 =	simm.s32 @!p0 $0x1  }
0x49: {  	_ =	swait.ge @!p0 [sflag:s0], s1  }
0x4a: {  	s1 =	ssub.s32 @!p0 $0x0, s1;
	[sflag:s0] =	ssyncset.done @!p0 $0x0  }
0x4b: {  	[sflag:s0] =	ssyncadd.s32 @!p0 s1  }
0x4c: {  	[bflag:$0x3] =	sbarrier.arrive $0xFFFF  }
0x4d: {  	_ =	shalt  }

</sc_bundles>
